<compile_context>
chip_gen: v7x
topology: tpu7x:2x2x1
jax: 0.10.2.dev20260603
libtpu: 0.0.44.dev20260713+nightly
codegen_flags: <defaults>
</compile_context>

<pallas_src>
import functools

import jax
import jax.numpy as jnp
from jax import lax
from jax.experimental import pallas as pl
from jax.experimental.pallas import tpu as pltpu
from jax.experimental.pallas import tpu_sc as plsc

N = 10000
NPAD = 10240
E = 320000
F_IN = 128
C_OUT = 7
C8 = 8

E_PER_TILE = E // 16
NB_DEG = E_PER_TILE // 128
TAIL_DEG = E_PER_TILE - NB_DEG * 128
E_PER_W = E // 32
NB_AGG = E_PER_W // 128
TAIL_AGG = E_PER_W - NB_AGG * 128
NODES_PER_TILE = NPAD // 16
EXP_PER_TILE = NODES_PER_TILE * C8

_mesh = plsc.VectorSubcoreMesh(core_axis_name="c", subcore_axis_name="s")
_sc_params = pltpu.CompilerParams(use_tc_tiling_on_sc=False)
_sc_params_nl = pltpu.CompilerParams(use_tc_tiling_on_sc=False,
                                     needs_layout_passes=False)


def _deg_body(edges_hbm, zeros_hbm, idxmap_hbm, nexp_hbm,
              idx_v, ones_v, deg_v, exp_v, im_v, tmp_v, shared, ssem):
    c = lax.axis_index("c")
    s = lax.axis_index("s")
    for i in range(8):
        ones_v[pl.ds(i * 16, 16)] = jnp.ones((16,), jnp.float32)
    nslc = pl.ds(s * NODES_PER_TILE, NODES_PER_TILE)
    pltpu.sync_copy(zeros_hbm.at[nslc], shared.at[nslc])
    pltpu.sync_copy(idxmap_hbm.at[...], im_v)
    pltpu.sync_copy(edges_hbm.at[pl.ds(c * E + s * E_PER_TILE, E_PER_TILE)], idx_v)
    plsc.subcore_barrier()

    def scat(b, carry):
        off = pl.multiple_of(b * 128, 128)
        pltpu.async_copy(ones_v, shared.at[idx_v.at[pl.ds(off, 128)]], ssem,
                         add=True)
        return carry

    lax.fori_loop(0, NB_DEG, scat, 0)
    pltpu.async_copy(ones_v.at[pl.ds(0, TAIL_DEG)],
                     shared.at[idx_v.at[pl.ds(NB_DEG * 128, TAIL_DEG)]], ssem,
                     add=True)

    def drain(b, carry):
        off = pl.multiple_of(b * 128, 128)
        pltpu.make_async_copy(ones_v, shared.at[idx_v.at[pl.ds(off, 128)]],
                              ssem).wait()
        return carry

    lax.fori_loop(0, NB_DEG, drain, 0)
    pltpu.make_async_copy(ones_v.at[pl.ds(0, TAIL_DEG)],
                          shared.at[idx_v.at[pl.ds(NB_DEG * 128, TAIL_DEG)]],
                          ssem).wait()
    plsc.subcore_barrier()
    pltpu.sync_copy(shared.at[nslc], deg_v)

    def newton(i, carry):
        x = jnp.maximum(deg_v[pl.ds(i * 16, 16)], 1.0)
        bits = plsc.bitcast(x, jnp.int32)
        yb = 0x5F3759DF - lax.shift_right_logical(bits, 1)
        y = plsc.bitcast(yb, jnp.float32)
        for _ in range(3):
            y = y * (1.5 - 0.5 * x * y * y)
        tmp_v[...] = y
        for j in range(8):
            exp_v[pl.ds(i * 128 + j * 16, 16)] = plsc.load_gather(
                tmp_v, [im_v[j, :]])
        return carry

    lax.fori_loop(0, NODES_PER_TILE // 16, newton, 0)
    pltpu.sync_copy(exp_v,
                    nexp_hbm.at[pl.ds((c * 16 + s) * EXP_PER_TILE,
                                      EXP_PER_TILE)])


_deg_call = functools.partial(
    pl.kernel,
    out_type=jax.ShapeDtypeStruct((2 * NPAD * C8,), jnp.float32),
    mesh=_mesh,
    compiler_params=_sc_params_nl,
    scratch_types=[
        pltpu.VMEM((E_PER_TILE,), jnp.int32),
        pltpu.VMEM((128,), jnp.float32),
        pltpu.VMEM((NODES_PER_TILE,), jnp.float32),
        pltpu.VMEM((EXP_PER_TILE,), jnp.float32),
        pltpu.VMEM((8, 16), jnp.int32),
        pltpu.VMEM((16,), jnp.float32),
        pltpu.VMEM_SHARED((NPAD,), jnp.float32),
        pltpu.SemaphoreType.DMA,
    ],
)(_deg_body)


def _agg_body(edges_hbm, feat_hbm, zeros_hbm, rst_hbm,
              src_v, dst_v, msgs_v, out_v, shared, feat_sh, gsem):
    c = lax.axis_index("c")
    s = lax.axis_index("s")
    w = s * 2 + c
    base = w * E_PER_W
    pltpu.sync_copy(edges_hbm.at[pl.ds(base, E_PER_W)], src_v)
    pltpu.sync_copy(edges_hbm.at[pl.ds(E + base, E_PER_W)], dst_v)
    nslc = pl.ds(s * NODES_PER_TILE, NODES_PER_TILE)
    pltpu.sync_copy(zeros_hbm.at[nslc], shared.at[nslc])
    pltpu.sync_copy(feat_hbm.at[nslc], feat_sh.at[nslc])
    plsc.subcore_barrier()

    def g_start(b, carry):
        off = pl.multiple_of(b * 128, 128)
        pltpu.async_copy(feat_sh.at[src_v.at[pl.ds(off, 128)]], msgs_v.at[b],
                         gsem)
        return carry

    lax.fori_loop(0, NB_AGG, g_start, 0)
    pltpu.async_copy(feat_sh.at[src_v.at[pl.ds(NB_AGG * 128, TAIL_AGG)]],
                     msgs_v.at[NB_AGG, pl.ds(0, TAIL_AGG)], gsem)

    def g_wait(b, carry):
        off = pl.multiple_of(b * 128, 128)
        pltpu.make_async_copy(feat_sh.at[src_v.at[pl.ds(off, 128)]],
                              msgs_v.at[b], gsem).wait()
        return carry

    lax.fori_loop(0, NB_AGG, g_wait, 0)
    pltpu.make_async_copy(feat_sh.at[src_v.at[pl.ds(NB_AGG * 128, TAIL_AGG)]],
                          msgs_v.at[NB_AGG, pl.ds(0, TAIL_AGG)], gsem).wait()

    def scat(b, carry):
        off = pl.multiple_of(b * 128, 128)
        pltpu.async_copy(msgs_v.at[b], shared.at[dst_v.at[pl.ds(off, 128)]],
                         gsem, add=True)
        return carry

    lax.fori_loop(0, NB_AGG, scat, 0)
    pltpu.async_copy(msgs_v.at[NB_AGG, pl.ds(0, TAIL_AGG)],
                     shared.at[dst_v.at[pl.ds(NB_AGG * 128, TAIL_AGG)]], gsem,
                     add=True)

    def s_wait(b, carry):
        off = pl.multiple_of(b * 128, 128)
        pltpu.make_async_copy(msgs_v.at[b],
                              shared.at[dst_v.at[pl.ds(off, 128)]], gsem).wait()
        return carry

    lax.fori_loop(0, NB_AGG, s_wait, 0)
    pltpu.make_async_copy(msgs_v.at[NB_AGG, pl.ds(0, TAIL_AGG)],
                          shared.at[dst_v.at[pl.ds(NB_AGG * 128, TAIL_AGG)]],
                          gsem).wait()
    plsc.subcore_barrier()
    pltpu.sync_copy(shared.at[nslc], out_v)
    pltpu.sync_copy(out_v, rst_hbm.at[c, nslc])


_agg_call = functools.partial(
    pl.kernel,
    out_type=jax.ShapeDtypeStruct((2, NPAD, C8), jnp.float32),
    mesh=_mesh,
    compiler_params=_sc_params,
    scratch_types=[
        pltpu.VMEM((E_PER_W,), jnp.int32),
        pltpu.VMEM((E_PER_W,), jnp.int32),
        pltpu.VMEM((NB_AGG + 1, 128, C8), jnp.float32),
        pltpu.VMEM((NODES_PER_TILE, C8), jnp.float32),
        pltpu.VMEM_SHARED((NPAD, C8), jnp.float32),
        pltpu.VMEM_SHARED((NPAD, C8), jnp.float32),
        pltpu.SemaphoreType.DMA,
    ],
)(_agg_body)


_MM_BLK = 128
_FIN_BLK = 160
FLAT_ROWS = NPAD * C8 // 128


def _mm_body(h_ref, w_ref, y_ref):
    y = lax.dot_general(h_ref[...], w_ref[...], (((2,), (0,)), ((), ())),
                        preferred_element_type=jnp.float32)
    y_ref[...] = y.reshape(_MM_BLK, 128)


def _norm_body(y_ref, ns_ref, feat_ref):
    feat_ref[...] = y_ref[...] * ns_ref[...]


def _fin_body(rst_ref, nd_ref, b_ref, out_ref):
    out_ref[...] = (rst_ref[0] + rst_ref[1]) * nd_ref[...] + b_ref[...]


def kernel(h, edge_index, W, b):
    e32 = edge_index.astype(jnp.int32).reshape(-1)
    W8 = jnp.pad(W, ((0, 0), (0, C8 - C_OUT)))
    b8 = jnp.pad(b, (0, C8 - C_OUT))
    bexp = jnp.tile(b8, 16).reshape(1, 128)
    zeros1 = jnp.zeros((NPAD,), jnp.float32)
    zeros8 = jnp.zeros((NPAD, C8), jnp.float32)
    idxmap = (jnp.arange(128, dtype=jnp.int32) // 8).reshape(8, 16)
    h3 = h.reshape(N // 16, 16, F_IN)

    nexp = _deg_call(e32, zeros1, idxmap)
    nsrc = nexp[:NPAD * C8].reshape(FLAT_ROWS, 128)
    ndst = nexp[NPAD * C8:].reshape(FLAT_ROWS, 128)

    y = pl.pallas_call(
        _mm_body,
        grid=(FLAT_ROWS // _MM_BLK,),
        in_specs=[pl.BlockSpec((_MM_BLK, 16, F_IN), lambda i: (i, 0, 0)),
                  pl.BlockSpec((F_IN, C8), lambda i: (0, 0))],
        out_specs=pl.BlockSpec((_MM_BLK, 128), lambda i: (i, 0)),
        out_shape=jax.ShapeDtypeStruct((FLAT_ROWS, 128), jnp.float32),
    )(h3, W8)

    feat = pl.pallas_call(
        _norm_body,
        grid=(FLAT_ROWS // _MM_BLK,),
        in_specs=[pl.BlockSpec((_MM_BLK, 128), lambda i: (i, 0)),
                  pl.BlockSpec((_MM_BLK, 128), lambda i: (i, 0))],
        out_specs=pl.BlockSpec((_MM_BLK, 128), lambda i: (i, 0)),
        out_shape=jax.ShapeDtypeStruct((FLAT_ROWS, 128), jnp.float32),
    )(y, nsrc)

    rst = _agg_call(e32, feat.reshape(NPAD, C8), zeros8)

    out640 = pl.pallas_call(
        _fin_body,
        grid=(FLAT_ROWS // _MM_BLK,),
        in_specs=[pl.BlockSpec((2, _MM_BLK, 128), lambda i: (0, i, 0)),
                  pl.BlockSpec((_MM_BLK, 128), lambda i: (i, 0)),
                  pl.BlockSpec((1, 128), lambda i: (0, 0))],
        out_specs=pl.BlockSpec((_MM_BLK, 128), lambda i: (i, 0)),
        out_shape=jax.ShapeDtypeStruct((FLAT_ROWS, 128), jnp.float32),
    )(rst.reshape(2, FLAT_ROWS, 128), ndst, bexp)
    return out640.reshape(NPAD, C8)[:N, :C_OUT]

# --- scband reference (transcript-rebuilt; emitter-appended) ---
"""Pipeline reference for scband-gcn-90331752169729 (READ-ONLY COPY).

The authoritative reference and input builder live on the scoring server;
editing this copy changes nothing except your own understanding.
"""

import jax, jax.numpy as jnp
import numpy as np

N_NODES = 10000
N_EDGES = 320000
IN_FEATS = 128
NUM_CLASSES = 7

def setup_inputs(seed: int = 0) -> dict:
    key = jax.random.key(seed)
    k1, k2, k3, k4 = jax.random.split(key, 4)
    h = jax.random.normal(k1, (N_NODES, IN_FEATS), dtype=jnp.float32)
    edge_index = jax.random.randint(k2, (2, N_EDGES), 0, N_NODES, dtype=jnp.int64)
    # GraphConv learned params (glorot-ish init)
    W = jax.random.normal(k3, (IN_FEATS, NUM_CLASSES), dtype=jnp.float32) * (1.0 / np.sqrt(IN_FEATS))
    b = jnp.zeros((NUM_CLASSES,), dtype=jnp.float32)
    return {"h": h, "edge_index": edge_index, "W": W, "b": b}

def reference(h, edge_index, W, b):
    # DGL GraphConv with norm='both', allow_zero_in_degree=True.
    # Since in_feats (128) > out_feats (7), weight is applied before aggregation.
    src = edge_index[0]
    dst = edge_index[1]
    N = h.shape[0]
    ones = jnp.ones((src.shape[0],), dtype=jnp.float32)
    out_deg = jnp.zeros((N,), dtype=jnp.float32).at[src].add(ones)
    in_deg = jnp.zeros((N,), dtype=jnp.float32).at[dst].add(ones)
    out_deg = jnp.clip(out_deg, 1.0, None)
    in_deg = jnp.clip(in_deg, 1.0, None)
    norm_src = jax.lax.rsqrt(out_deg)
    norm_dst = jax.lax.rsqrt(in_deg)
    feat = h * norm_src[:, None]
    feat = feat @ W
    msgs = jnp.take(feat, src, axis=0)
    rst = jax.ops.segment_sum(msgs, dst, num_segments=N)
    rst = rst * norm_dst[:, None]
    rst = rst + b
    return rst

if __name__ == "__main__":
    import jax
    _d = setup_inputs()
    print(jax.jit(kernel)(*tuple(_d.values())))

</pallas_src>

<mosaic_0001>
#map = affine_map<(d0, d1) -> (0)>
#map1 = affine_map<(d0, d1) -> (0, 0)>
module attributes {stable_mosaic.version = 14 : i64} {
  func.func @_deg_body(%arg0: i32, %arg1: i32, %arg2: memref<640000xi32, #tpu.memory_space<hbm>>, %arg3: memref<10240xf32, #tpu.memory_space<hbm>>, %arg4: memref<8x16xi32, #tpu.memory_space<hbm>>, %arg5: memref<163840xf32, #tpu.memory_space<hbm>>, %arg6: memref<20000xi32, #tpu.memory_space<vmem>>, %arg7: memref<128xf32, #tpu.memory_space<vmem>>, %arg8: memref<640xf32, #tpu.memory_space<vmem>>, %arg9: memref<5120xf32, #tpu.memory_space<vmem>>, %arg10: memref<8x16xi32, #tpu.memory_space<vmem>>, %arg11: memref<16xf32, #tpu.memory_space<vmem>>, %arg12: memref<10240xf32, #tpu.memory_space<vmem_shared>>, %arg13: memref<!tpu.dma_semaphore, #tpu.memory_space<semaphore_mem>>) attributes {dimension_semantics = [#tpu.dimension_semantics<core_parallel>, #tpu.dimension_semantics<subcore_parallel>], iteration_bounds = array<i64: 2, 16>, scalar_prefetch = 0 : i64, scratch_operands = 8 : i64, tpu.core_type = #tpu.core_type<sc_vector_subcore>, window_params = [{transform_indices = #map}, {transform_indices = #map}, {transform_indices = #map1}, {transform_indices = #map}]} {
    %broadcast_in_dim3A = arith.constant 1.000000e+00 : f32
    %broadcast_in_dim3A_0 = vector.broadcast %broadcast_in_dim3A : f32 to vector<16xf32>
    %swap3A = arith.constant 0 : index
    %swap3A_1 = tpu.vector_load %arg7[%swap3A] {strides = array<i32>} : memref<128xf32, #tpu.memory_space<vmem>>, vector<16xf32>,
    tpu.vector_store %arg7[%swap3A], %broadcast_in_dim3A_0 {strides = array<i32>} : memref<128xf32, #tpu.memory_space<vmem>>, vector<16xf32>,
    %broadcast_in_dim3A_2 = arith.constant 1.000000e+00 : f32
    %broadcast_in_dim3A_3 = vector.broadcast %broadcast_in_dim3A_2 : f32 to vector<16xf32>
    %swap3A_4 = arith.constant 16 : index
    %swap3A_5 = tpu.vector_load %arg7[%swap3A_4] {strides = array<i32>} : memref<128xf32, #tpu.memory_space<vmem>>, vector<16xf32>,
    tpu.vector_store %arg7[%swap3A_4], %broadcast_in_dim3A_3 {strides = array<i32>} : memref<128xf32, #tpu.memory_space<vmem>>, vector<16xf32>,
    %broadcast_in_dim3A_6 = arith.constant 1.000000e+00 : f32
    %broadcast_in_dim3A_7 = vector.broadcast %broadcast_in_dim3A_6 : f32 to vector<16xf32>
    %swap3A_8 = arith.constant 32 : index
    %swap3A_9 = tpu.vector_load %arg7[%swap3A_8] {strides = array<i32>} : memref<128xf32, #tpu.memory_space<vmem>>, vector<16xf32>,
    tpu.vector_store %arg7[%swap3A_8], %broadcast_in_dim3A_7 {strides = array<i32>} : memref<128xf32, #tpu.memory_space<vmem>>, vector<16xf32>,
    %broadcast_in_dim3A_10 = arith.constant 1.000000e+00 : f32
    %broadcast_in_dim3A_11 = vector.broadcast %broadcast_in_dim3A_10 : f32 to vector<16xf32>
    %swap3A_12 = arith.constant 48 : index
    %swap3A_13 = tpu.vector_load %arg7[%swap3A_12] {strides = array<i32>} : memref<128xf32, #tpu.memory_space<vmem>>, vector<16xf32>,
    tpu.vector_store %arg7[%swap3A_12], %broadcast_in_dim3A_11 {strides = array<i32>} : memref<128xf32, #tpu.memory_space<vmem>>, vector<16xf32>,
    %broadcast_in_dim3A_14 = arith.constant 1.000000e+00 : f32
    %broadcast_in_dim3A_15 = vector.broadcast %broadcast_in_dim3A_14 : f32 to vector<16xf32>
    %swap3A_16 = arith.constant 64 : index
    %swap3A_17 = tpu.vector_load %arg7[%swap3A_16] {strides = array<i32>} : memref<128xf32, #tpu.memory_space<vmem>>, vector<16xf32>,
    tpu.vector_store %arg7[%swap3A_16], %broadcast_in_dim3A_15 {strides = array<i32>} : memref<128xf32, #tpu.memory_space<vmem>>, vector<16xf32>,
    %broadcast_in_dim3A_18 = arith.constant 1.000000e+00 : f32
    %broadcast_in_dim3A_19 = vector.broadcast %broadcast_in_dim3A_18 : f32 to vector<16xf32>
    %swap3A_20 = arith.constant 80 : index
    %swap3A_21 = tpu.vector_load %arg7[%swap3A_20] {strides = array<i32>} : memref<128xf32, #tpu.memory_space<vmem>>, vector<16xf32>,
    tpu.vector_store %arg7[%swap3A_20], %broadcast_in_dim3A_19 {strides = array<i32>} : memref<128xf32, #tpu.memory_space<vmem>>, vector<16xf32>,
    %broadcast_in_dim3A_22 = arith.constant 1.000000e+00 : f32
    %broadcast_in_dim3A_23 = vector.broadcast %broadcast_in_dim3A_22 : f32 to vector<16xf32>
    %swap3A_24 = arith.constant 96 : index
    %swap3A_25 = tpu.vector_load %arg7[%swap3A_24] {strides = array<i32>} : memref<128xf32, #tpu.memory_space<vmem>>, vector<16xf32>,
    tpu.vector_store %arg7[%swap3A_24], %broadcast_in_dim3A_23 {strides = array<i32>} : memref<128xf32, #tpu.memory_space<vmem>>, vector<16xf32>,
    %broadcast_in_dim3A_26 = arith.constant 1.000000e+00 : f32
    %broadcast_in_dim3A_27 = vector.broadcast %broadcast_in_dim3A_26 : f32 to vector<16xf32>
    %swap3A_28 = arith.constant 112 : index
    %swap3A_29 = tpu.vector_load %arg7[%swap3A_28] {strides = array<i32>} : memref<128xf32, #tpu.memory_space<vmem>>, vector<16xf32>,
    tpu.vector_store %arg7[%swap3A_28], %broadcast_in_dim3A_27 {strides = array<i32>} : memref<128xf32, #tpu.memory_space<vmem>>, vector<16xf32>,
    %mul3A = arith.constant 640 : i32
    %mul3A_30 = arith.muli %arg1, %mul3A : i32
    "tpu.region"() ({
      %run_scoped3A = tpu.sem_alloc : memref<!tpu.dma_semaphore, #tpu.memory_space<semaphore_mem>>
      %dma_start3A_68 = tpu.memref_slice %arg12[%mul3A_30] : memref<10240xf32, #tpu.memory_space<vmem_shared>> -> memref<640xf32, #tpu.memory_space<vmem_shared>>
      %dma_start3A_69 = tpu.memref_slice %arg3[%mul3A_30] : memref<10240xf32, #tpu.memory_space<hbm>> -> memref<640xf32, #tpu.memory_space<hbm>>
      tpu.enqueue_dma source(%dma_start3A_69 : memref<640xf32, #tpu.memory_space<hbm>>) target(%dma_start3A_68 : memref<640xf32, #tpu.memory_space<vmem_shared>>) target_semaphore(%run_scoped3A : memref<!tpu.dma_semaphore, #tpu.memory_space<semaphore_mem>>)
      %dma_wait3A_70 = tpu.memref_slice %arg12[%mul3A_30] : memref<10240xf32, #tpu.memory_space<vmem_shared>> -> memref<640xf32, #tpu.memory_space<vmem_shared>>
      %dma_wait3A_71 = tpu.memref_slice %arg3[%mul3A_30] : memref<10240xf32, #tpu.memory_space<hbm>> -> memref<640xf32, #tpu.memory_space<hbm>>
      tpu.wait_dma2 semaphore(%run_scoped3A : memref<!tpu.dma_semaphore, #tpu.memory_space<semaphore_mem>>) src(%dma_wait3A_71 : memref<640xf32, #tpu.memory_space<hbm>>) dst(%dma_wait3A_70 : memref<640xf32, #tpu.memory_space<vmem_shared>>)
      tpu.yield
    }) : () -> ()
    "tpu.region"() ({
      %run_scoped3A = tpu.sem_alloc : memref<!tpu.dma_semaphore, #tpu.memory_space<semaphore_mem>>
      %dma_start3A_68 = arith.constant 0 : i32
      %dma_start3A_69 = arith.constant 0 : i32
      %dma_start3A_70 = tpu.memref_slice %arg4[%dma_start3A_68, %dma_start3A_69] : memref<8x16xi32, #tpu.memory_space<hbm>> -> memref<8x16xi32, #tpu.memory_space<hbm>>
      %dma_start3A_71 = arith.constant 0 : i32
      %dma_start3A_72 = arith.constant 0 : i32
      %dma_start3A_73 = tpu.memref_slice %arg4[%dma_start3A_71, %dma_start3A_72] : memref<8x16xi32, #tpu.memory_space<hbm>> -> memref<8x16xi32, #tpu.memory_space<hbm>>
      tpu.enqueue_dma source(%dma_start3A_73 : memref<8x16xi32, #tpu.memory_space<hbm>>) target(%arg10 : memref<8x16xi32, #tpu.memory_space<vmem>>) target_semaphore(%run_scoped3A : memref<!tpu.dma_semaphore, #tpu.memory_space<semaphore_mem>>)
      %dma_wait3A_74 = arith.constant 0 : i32
      %dma_wait3A_75 = arith.constant 0 : i32
      %dma_wait3A_76 = tpu.memref_slice %arg4[%dma_wait3A_74, %dma_wait3A_75] : memref<8x16xi32, #tpu.memory_space<hbm>> -> memref<8x16xi32, #tpu.memory_space<hbm>>
      %dma_wait3A_77 = arith.constant 0 : i32
      %dma_wait3A_78 = arith.constant 0 : i32
      %dma_wait3A_79 = tpu.memref_slice %arg4[%dma_wait3A_77, %dma_wait3A_78] : memref<8x16xi32, #tpu.memory_space<hbm>> -> memref<8x16xi32, #tpu.memory_space<hbm>>
      tpu.wait_dma2 semaphore(%run_scoped3A : memref<!tpu.dma_semaphore, #tpu.memory_space<semaphore_mem>>) src(%dma_wait3A_79 : memref<8x16xi32, #tpu.memory_space<hbm>>) dst(%arg10 : memref<8x16xi32, #tpu.memory_space<vmem>>)
      tpu.yield
    }) : () -> ()
    %mul3A_31 = arith.constant 320000 : i32
    %mul3A_32 = arith.muli %arg0, %mul3A_31 : i32
    %mul3A_33 = arith.constant 20000 : i32
    %mul3A_34 = arith.muli %arg1, %mul3A_33 : i32
    %add3A = arith.addi %mul3A_32, %mul3A_34 : i32
    "tpu.region"() ({
      %run_scoped3A = tpu.sem_alloc : memref<!tpu.dma_semaphore, #tpu.memory_space<semaphore_mem>>
      %dma_start3A_68 = tpu.memref_slice %arg2[%add3A] : memref<640000xi32, #tpu.memory_space<hbm>> -> memref<20000xi32, #tpu.memory_space<hbm>>
      %dma_start3A_69 = tpu.memref_slice %arg2[%add3A] : memref<640000xi32, #tpu.memory_space<hbm>> -> memref<20000xi32, #tpu.memory_space<hbm>>
      tpu.enqueue_dma source(%dma_start3A_69 : memref<20000xi32, #tpu.memory_space<hbm>>) target(%arg6 : memref<20000xi32, #tpu.memory_space<vmem>>) target_semaphore(%run_scoped3A : memref<!tpu.dma_semaphore, #tpu.memory_space<semaphore_mem>>)
      %dma_wait3A_70 = tpu.memref_slice %arg2[%add3A] : memref<640000xi32, #tpu.memory_space<hbm>> -> memref<20000xi32, #tpu.memory_space<hbm>>
      %dma_wait3A_71 = tpu.memref_slice %arg2[%add3A] : memref<640000xi32, #tpu.memory_space<hbm>> -> memref<20000xi32, #tpu.memory_space<hbm>>
      tpu.wait_dma2 semaphore(%run_scoped3A : memref<!tpu.dma_semaphore, #tpu.memory_space<semaphore_mem>>) src(%dma_wait3A_71 : memref<20000xi32, #tpu.memory_space<hbm>>) dst(%arg6 : memref<20000xi32, #tpu.memory_space<vmem>>)
      tpu.yield
    }) : () -> ()
    %barrier3A = arith.constant 0 : index
    tpu.barrier barrier_id(%barrier3A)
    %scan3A = arith.constant 0 : i32
    %scan3A_35 = arith.constant 0 : i32
    %scan3A_36 = arith.constant 156 : i32
    %scan3A_37 = arith.addi %scan3A_35, %scan3A_36 : i32
    %scan3A_38 = arith.constant 1 : i32
    scf.for %scan3A_68 = %scan3A_35 to %scan3A_37 step %scan3A_38  : i32 {
      %mul3A_69 = arith.constant 128 : i32
      %mul3A_70 = arith.muli %scan3A_68, %mul3A_69 : i32
      %multiple_of3A = tpu.assume_multiple %mul3A_70, 128 : i32
      %dma_start3A_71 = tpu.memref_slice %arg6[%multiple_of3A] : memref<20000xi32, #tpu.memory_space<vmem>> -> memref<128xi32, #tpu.memory_space<vmem>>
      %dma_start3A_72 = arith.constant 0 : i32
      %dma_start3A_73 = tpu.memref_slice %arg12[%dma_start3A_72] : memref<10240xf32, #tpu.memory_space<vmem_shared>> -> memref<10240xf32, #tpu.memory_space<vmem_shared>>
      tpu.enqueue_indirect_dma source(%arg7 : memref<128xf32, #tpu.memory_space<vmem>>) target(%dma_start3A_73 : memref<10240xf32, #tpu.memory_space<vmem_shared>>) offsets(%dma_start3A_71 : memref<128xi32, #tpu.memory_space<vmem>>) semaphore(%arg13 : memref<!tpu.dma_semaphore, #tpu.memory_space<semaphore_mem>>) {add = true}
    }
    %scan3A_39 = arith.constant 156 : i32
    %dma_start3A = arith.constant 0 : i32
    %dma_start3A_40 = tpu.memref_slice %arg7[%dma_start3A] : memref<128xf32, #tpu.memory_space<vmem>> -> memref<32xf32, #tpu.memory_space<vmem>>
    %dma_start3A_41 = arith.constant 19968 : i32
    %dma_start3A_42 = tpu.memref_slice %arg6[%dma_start3A_41] : memref<20000xi32, #tpu.memory_space<vmem>> -> memref<32xi32, #tpu.memory_space<vmem>>
    %dma_start3A_43 = arith.constant 0 : i32
    %dma_start3A_44 = tpu.memref_slice %arg12[%dma_start3A_43] : memref<10240xf32, #tpu.memory_space<vmem_shared>> -> memref<10240xf32, #tpu.memory_space<vmem_shared>>
    tpu.enqueue_indirect_dma source(%dma_start3A_40 : memref<32xf32, #tpu.memory_space<vmem>>) target(%dma_start3A_44 : memref<10240xf32, #tpu.memory_space<vmem_shared>>) offsets(%dma_start3A_42 : memref<32xi32, #tpu.memory_space<vmem>>) semaphore(%arg13 : memref<!tpu.dma_semaphore, #tpu.memory_space<semaphore_mem>>) {add = true}
    %scan3A_45 = arith.constant 0 : i32
    %scan3A_46 = arith.constant 0 : i32
    %scan3A_47 = arith.constant 156 : i32
    %scan3A_48 = arith.addi %scan3A_46, %scan3A_47 : i32
    %scan3A_49 = arith.constant 1 : i32
    scf.for %scan3A_68 = %scan3A_46 to %scan3A_48 step %scan3A_49  : i32 {
      %mul3A_69 = arith.constant 128 : i32
      %mul3A_70 = arith.muli %scan3A_68, %mul3A_69 : i32
      %multiple_of3A = tpu.assume_multiple %mul3A_70, 128 : i32
      %dma_wait3A_71 = tpu.memref_slice %arg6[%multiple_of3A] : memref<20000xi32, #tpu.memory_space<vmem>> -> memref<128xi32, #tpu.memory_space<vmem>>
      %dma_wait3A_72 = arith.constant 0 : i32
      %dma_wait3A_73 = tpu.memref_slice %arg12[%dma_wait3A_72] : memref<10240xf32, #tpu.memory_space<vmem_shared>> -> memref<10240xf32, #tpu.memory_space<vmem_shared>>
      tpu.wait_indirect_dma semaphore(%arg13 : memref<!tpu.dma_semaphore, #tpu.memory_space<semaphore_mem>>) src(%arg7 : memref<128xf32, #tpu.memory_space<vmem>>) dst(%dma_wait3A_73 : memref<10240xf32, #tpu.memory_space<vmem_shared>>)
    }
    %scan3A_50 = arith.constant 156 : i32
    %dma_wait3A = arith.constant 0 : i32
    %dma_wait3A_51 = tpu.memref_slice %arg7[%dma_wait3A] : memref<128xf32, #tpu.memory_space<vmem>> -> memref<32xf32, #tpu.memory_space<vmem>>
    %dma_wait3A_52 = arith.constant 19968 : i32
    %dma_wait3A_53 = tpu.memref_slice %arg6[%dma_wait3A_52] : memref<20000xi32, #tpu.memory_space<vmem>> -> memref<32xi32, #tpu.memory_space<vmem>>
    %dma_wait3A_54 = arith.constant 0 : i32
    %dma_wait3A_55 = tpu.memref_slice %arg12[%dma_wait3A_54] : memref<10240xf32, #tpu.memory_space<vmem_shared>> -> memref<10240xf32, #tpu.memory_space<vmem_shared>>
    tpu.wait_indirect_dma semaphore(%arg13 : memref<!tpu.dma_semaphore, #tpu.memory_space<semaphore_mem>>) src(%dma_wait3A_51 : memref<32xf32, #tpu.memory_space<vmem>>) dst(%dma_wait3A_55 : memref<10240xf32, #tpu.memory_space<vmem_shared>>)
    %barrier3A_56 = arith.constant 0 : index
    tpu.barrier barrier_id(%barrier3A_56)
    "tpu.region"() ({
      %run_scoped3A = tpu.sem_alloc : memref<!tpu.dma_semaphore, #tpu.memory_space<semaphore_mem>>
      %dma_start3A_68 = tpu.memref_slice %arg12[%mul3A_30] : memref<10240xf32, #tpu.memory_space<vmem_shared>> -> memref<640xf32, #tpu.memory_space<vmem_shared>>
      %dma_start3A_69 = tpu.memref_slice %arg12[%mul3A_30] : memref<10240xf32, #tpu.memory_space<vmem_shared>> -> memref<640xf32, #tpu.memory_space<vmem_shared>>
      tpu.enqueue_dma source(%dma_start3A_69 : memref<640xf32, #tpu.memory_space<vmem_shared>>) target(%arg8 : memref<640xf32, #tpu.memory_space<vmem>>) target_semaphore(%run_scoped3A : memref<!tpu.dma_semaphore, #tpu.memory_space<semaphore_mem>>)
      %dma_wait3A_70 = tpu.memref_slice %arg12[%mul3A_30] : memref<10240xf32, #tpu.memory_space<vmem_shared>> -> memref<640xf32, #tpu.memory_space<vmem_shared>>
      %dma_wait3A_71 = tpu.memref_slice %arg12[%mul3A_30] : memref<10240xf32, #tpu.memory_space<vmem_shared>> -> memref<640xf32, #tpu.memory_space<vmem_shared>>
      tpu.wait_dma2 semaphore(%run_scoped3A : memref<!tpu.dma_semaphore, #tpu.memory_space<semaphore_mem>>) src(%dma_wait3A_71 : memref<640xf32, #tpu.memory_space<vmem_shared>>) dst(%arg8 : memref<640xf32, #tpu.memory_space<vmem>>)
      tpu.yield
    }) : () -> ()
    %scan3A_57 = arith.constant 0 : i32
    %scan3A_58 = arith.constant 0 : i32
    %scan3A_59 = arith.constant 40 : i32
    %scan3A_60 = arith.addi %scan3A_58, %scan3A_59 : i32
    %scan3A_61 = arith.constant 1 : i32
    scf.for %scan3A_68 = %scan3A_58 to %scan3A_60 step %scan3A_61  : i32 {
      %mul3A_69 = arith.constant 16 : i32
      %mul3A_70 = arith.muli %scan3A_68, %mul3A_69 : i32
      %get3A = arith.index_cast %mul3A_70 : i32 to index
      %get3A_71 = tpu.vector_load %arg8[%get3A] {strides = array<i32>} : memref<640xf32, #tpu.memory_space<vmem>>, vector<16xf32>,
      %max3A = arith.constant 1.000000e+00 : f32
      %max3A_72 = vector.broadcast %max3A : f32 to vector<16xf32>
      %max3A_73 = arith.maximumf %get3A_71, %max3A_72 : vector<16xf32>
      %bitcast3A = vector.bitcast %max3A_73 : vector<16xf32> to vector<16xi32>
      %shift_right_logical3A = arith.constant 1 : i32
      %shift_right_logical3A_74 = vector.broadcast %shift_right_logical3A : i32 to vector<16xi32>
      %shift_right_logical3A_75 = arith.shrui %bitcast3A, %shift_right_logical3A_74 : vector<16xi32>
      %sub3A = arith.constant 1597463007 : i32
      %sub3A_76 = vector.broadcast %sub3A : i32 to vector<16xi32>
      %sub3A_77 = arith.subi %sub3A_76, %shift_right_logical3A_75 : vector<16xi32>
      %bitcast3A_78 = vector.bitcast %sub3A_77 : vector<16xi32> to vector<16xf32>
      %mul3A_79 = arith.constant 5.000000e-01 : f32
      %mul3A_80 = vector.broadcast %mul3A_79 : f32 to vector<16xf32>
      %mul3A_81 = arith.mulf %mul3A_80, %max3A_73 : vector<16xf32>
      %mul3A_82 = arith.mulf %mul3A_81, %bitcast3A_78 : vector<16xf32>
      %mul3A_83 = arith.mulf %mul3A_82, %bitcast3A_78 : vector<16xf32>
      %sub3A_84 = arith.constant 1.500000e+00 : f32
      %sub3A_85 = vector.broadcast %sub3A_84 : f32 to vector<16xf32>
      %sub3A_86 = arith.subf %sub3A_85, %mul3A_83 : vector<16xf32>
      %mul3A_87 = arith.mulf %bitcast3A_78, %sub3A_86 : vector<16xf32>
      %mul3A_88 = arith.constant 5.000000e-01 : f32
      %mul3A_89 = vector.broadcast %mul3A_88 : f32 to vector<16xf32>
      %mul3A_90 = arith.mulf %mul3A_89, %max3A_73 : vector<16xf32>
      %mul3A_91 = arith.mulf %mul3A_90, %mul3A_87 : vector<16xf32>
      %mul3A_92 = arith.mulf %mul3A_91, %mul3A_87 : vector<16xf32>
      %sub3A_93 = arith.constant 1.500000e+00 : f32
      %sub3A_94 = vector.broadcast %sub3A_93 : f32 to vector<16xf32>
      %sub3A_95 = arith.subf %sub3A_94, %mul3A_92 : vector<16xf32>
      %mul3A_96 = arith.mulf %mul3A_87, %sub3A_95 : vector<16xf32>
      %mul3A_97 = arith.constant 5.000000e-01 : f32
      %mul3A_98 = vector.broadcast %mul3A_97 : f32 to vector<16xf32>
      %mul3A_99 = arith.mulf %mul3A_98, %max3A_73 : vector<16xf32>
      %mul3A_100 = arith.mulf %mul3A_99, %mul3A_96 : vector<16xf32>
      %mul3A_101 = arith.mulf %mul3A_100, %mul3A_96 : vector<16xf32>
      %sub3A_102 = arith.constant 1.500000e+00 : f32
      %sub3A_103 = vector.broadcast %sub3A_102 : f32 to vector<16xf32>
      %sub3A_104 = arith.subf %sub3A_103, %mul3A_101 : vector<16xf32>
      %mul3A_105 = arith.mulf %mul3A_96, %sub3A_104 : vector<16xf32>
      %swap3A_106 = arith.constant 0 : index
      %swap3A_107 = tpu.vector_load %arg11[%swap3A_106] {strides = array<i32>} : memref<16xf32, #tpu.memory_space<vmem>>, vector<16xf32>,
      tpu.vector_store %arg11[%swap3A_106], %mul3A_105 {strides = array<i32>} : memref<16xf32, #tpu.memory_space<vmem>>, vector<16xf32>,
      %get3A_108 = arith.constant 0 : i32
      %get3A_109 = arith.index_cast %get3A_108 : i32 to index
      %get3A_110 = arith.constant 0 : index
      %get3A_111 = tpu.vector_load %arg10[%get3A_109, %get3A_110] {strides = array<i32>} : memref<8x16xi32, #tpu.memory_space<vmem>>, vector<16xi32>,
      %gather3A = tpu.vector_load_idx %arg11[%get3A_111] : memref<16xf32, #tpu.memory_space<vmem>>[vector<16xi32>], vector<16xf32>,
      %mul3A_112 = arith.constant 128 : i32
      %mul3A_113 = arith.muli %scan3A_68, %mul3A_112 : i32
      %add3A_114 = arith.constant 0 : i32
      %add3A_115 = arith.addi %mul3A_113, %add3A_114 : i32
      %swap3A_116 = arith.index_cast %add3A_115 : i32 to index
      %swap3A_117 = tpu.vector_load %arg9[%swap3A_116] {strides = array<i32>} : memref<5120xf32, #tpu.memory_space<vmem>>, vector<16xf32>,
      tpu.vector_store %arg9[%swap3A_116], %gather3A {strides = array<i32>} : memref<5120xf32, #tpu.memory_space<vmem>>, vector<16xf32>,
      %get3A_118 = arith.constant 1 : i32
      %get3A_119 = arith.index_cast %get3A_118 : i32 to index
      %get3A_120 = arith.constant 0 : index
      %get3A_121 = tpu.vector_load %arg10[%get3A_119, %get3A_120] {strides = array<i32>} : memref<8x16xi32, #tpu.memory_space<vmem>>, vector<16xi32>,
      %gather3A_122 = tpu.vector_load_idx %arg11[%get3A_121] : memref<16xf32, #tpu.memory_space<vmem>>[vector<16xi32>], vector<16xf32>,
      %mul3A_123 = arith.constant 128 : i32
      %mul3A_124 = arith.muli %scan3A_68, %mul3A_123 : i32
      %add3A_125 = arith.constant 16 : i32
      %add3A_126 = arith.addi %mul3A_124, %add3A_125 : i32
      %swap3A_127 = arith.index_cast %add3A_126 : i32 to index
      %swap3A_128 = tpu.vector_load %arg9[%swap3A_127] {strides = array<i32>} : memref<5120xf32, #tpu.memory_space<vmem>>, vector<16xf32>,
      tpu.vector_store %arg9[%swap3A_127], %gather3A_122 {strides = array<i32>} : memref<5120xf32, #tpu.memory_space<vmem>>, vector<16xf32>,
      %get3A_129 = arith.constant 2 : i32
      %get3A_130 = arith.index_cast %get3A_129 : i32 to index
      %get3A_131 = arith.constant 0 : index
      %get3A_132 = tpu.vector_load %arg10[%get3A_130, %get3A_131] {strides = array<i32>} : memref<8x16xi32, #tpu.memory_space<vmem>>, vector<16xi32>,
      %gather3A_133 = tpu.vector_load_idx %arg11[%get3A_132] : memref<16xf32, #tpu.memory_space<vmem>>[vector<16xi32>], vector<16xf32>,
      %mul3A_134 = arith.constant 128 : i32
      %mul3A_135 = arith.muli %scan3A_68, %mul3A_134 : i32
      %add3A_136 = arith.constant 32 : i32
      %add3A_137 = arith.addi %mul3A_135, %add3A_136 : i32
      %swap3A_138 = arith.index_cast %add3A_137 : i32 to index
      %swap3A_139 = tpu.vector_load %arg9[%swap3A_138] {strides = array<i32>} : memref<5120xf32, #tpu.memory_space<vmem>>, vector<16xf32>,
      tpu.vector_store %arg9[%swap3A_138], %gather3A_133 {strides = array<i32>} : memref<5120xf32, #tpu.memory_space<vmem>>, vector<16xf32>,
      %get3A_140 = arith.constant 3 : i32
      %get3A_141 = arith.index_cast %get3A_140 : i32 to index
      %get3A_142 = arith.constant 0 : index
      %get3A_143 = tpu.vector_load %arg10[%get3A_141, %get3A_142] {strides = array<i32>} : memref<8x16xi32, #tpu.memory_space<vmem>>, vector<16xi32>,
      %gather3A_144 = tpu.vector_load_idx %arg11[%get3A_143] : memref<16xf32, #tpu.memory_space<vmem>>[vector<16xi32>], vector<16xf32>,
      %mul3A_145 = arith.constant 128 : i32
      %mul3A_146 = arith.muli %scan3A_68, %mul3A_145 : i32
      %add3A_147 = arith.constant 48 : i32
      %add3A_148 = arith.addi %mul3A_146, %add3A_147 : i32
      %swap3A_149 = arith.index_cast %add3A_148 : i32 to index
      %swap3A_150 = tpu.vector_load %arg9[%swap3A_149] {strides = array<i32>} : memref<5120xf32, #tpu.memory_space<vmem>>, vector<16xf32>,
      tpu.vector_store %arg9[%swap3A_149], %gather3A_144 {strides = array<i32>} : memref<5120xf32, #tpu.memory_space<vmem>>, vector<16xf32>,
      %get3A_151 = arith.constant 4 : i32
      %get3A_152 = arith.index_cast %get3A_151 : i32 to index
      %get3A_153 = arith.constant 0 : index
      %get3A_154 = tpu.vector_load %arg10[%get3A_152, %get3A_153] {strides = array<i32>} : memref<8x16xi32, #tpu.memory_space<vmem>>, vector<16xi32>,
      %gather3A_155 = tpu.vector_load_idx %arg11[%get3A_154] : memref<16xf32, #tpu.memory_space<vmem>>[vector<16xi32>], vector<16xf32>,
      %mul3A_156 = arith.constant 128 : i32
      %mul3A_157 = arith.muli %scan3A_68, %mul3A_156 : i32
      %add3A_158 = arith.constant 64 : i32
      %add3A_159 = arith.addi %mul3A_157, %add3A_158 : i32
      %swap3A_160 = arith.index_cast %add3A_159 : i32 to index
      %swap3A_161 = tpu.vector_load %arg9[%swap3A_160] {strides = array<i32>} : memref<5120xf32, #tpu.memory_space<vmem>>, vector<16xf32>,
      tpu.vector_store %arg9[%swap3A_160], %gather3A_155 {strides = array<i32>} : memref<5120xf32, #tpu.memory_space<vmem>>, vector<16xf32>,
      %get3A_162 = arith.constant 5 : i32
      %get3A_163 = arith.index_cast %get3A_162 : i32 to index
      %get3A_164 = arith.constant 0 : index
      %get3A_165 = tpu.vector_load %arg10[%get3A_163, %get3A_164] {strides = array<i32>} : memref<8x16xi32, #tpu.memory_space<vmem>>, vector<16xi32>,
      %gather3A_166 = tpu.vector_load_idx %arg11[%get3A_165] : memref<16xf32, #tpu.memory_space<vmem>>[vector<16xi32>], vector<16xf32>,
      %mul3A_167 = arith.constant 128 : i32
      %mul3A_168 = arith.muli %scan3A_68, %mul3A_167 : i32
      %add3A_169 = arith.constant 80 : i32
      %add3A_170 = arith.addi %mul3A_168, %add3A_169 : i32
      %swap3A_171 = arith.index_cast %add3A_170 : i32 to index
      %swap3A_172 = tpu.vector_load %arg9[%swap3A_171] {strides = array<i32>} : memref<5120xf32, #tpu.memory_space<vmem>>, vector<16xf32>,
      tpu.vector_store %arg9[%swap3A_171], %gather3A_166 {strides = array<i32>} : memref<5120xf32, #tpu.memory_space<vmem>>, vector<16xf32>,
      %get3A_173 = arith.constant 6 : i32
      %get3A_174 = arith.index_cast %get3A_173 : i32 to index
      %get3A_175 = arith.constant 0 : index
      %get3A_176 = tpu.vector_load %arg10[%get3A_174, %get3A_175] {strides = array<i32>} : memref<8x16xi32, #tpu.memory_space<vmem>>, vector<16xi32>,
      %gather3A_177 = tpu.vector_load_idx %arg11[%get3A_176] : memref<16xf32, #tpu.memory_space<vmem>>[vector<16xi32>], vector<16xf32>,
      %mul3A_178 = arith.constant 128 : i32
      %mul3A_179 = arith.muli %scan3A_68, %mul3A_178 : i32
      %add3A_180 = arith.constant 96 : i32
      %add3A_181 = arith.addi %mul3A_179, %add3A_180 : i32
      %swap3A_182 = arith.index_cast %add3A_181 : i32 to index
      %swap3A_183 = tpu.vector_load %arg9[%swap3A_182] {strides = array<i32>} : memref<5120xf32, #tpu.memory_space<vmem>>, vector<16xf32>,
      tpu.vector_store %arg9[%swap3A_182], %gather3A_177 {strides = array<i32>} : memref<5120xf32, #tpu.memory_space<vmem>>, vector<16xf32>,
      %get3A_184 = arith.constant 7 : i32
      %get3A_185 = arith.index_cast %get3A_184 : i32 to index
      %get3A_186 = arith.constant 0 : index
      %get3A_187 = tpu.vector_load %arg10[%get3A_185, %get3A_186] {strides = array<i32>} : memref<8x16xi32, #tpu.memory_space<vmem>>, vector<16xi32>,
      %gather3A_188 = tpu.vector_load_idx %arg11[%get3A_187] : memref<16xf32, #tpu.memory_space<vmem>>[vector<16xi32>], vector<16xf32>,
      %mul3A_189 = arith.constant 128 : i32
      %mul3A_190 = arith.muli %scan3A_68, %mul3A_189 : i32
      %add3A_191 = arith.constant 112 : i32
      %add3A_192 = arith.addi %mul3A_190, %add3A_191 : i32
      %swap3A_193 = arith.index_cast %add3A_192 : i32 to index
      %swap3A_194 = tpu.vector_load %arg9[%swap3A_193] {strides = array<i32>} : memref<5120xf32, #tpu.memory_space<vmem>>, vector<16xf32>,
      tpu.vector_store %arg9[%swap3A_193], %gather3A_188 {strides = array<i32>} : memref<5120xf32, #tpu.memory_space<vmem>>, vector<16xf32>,
    }
    %scan3A_62 = arith.constant 40 : i32
    %mul3A_63 = arith.constant 16 : i32
    %mul3A_64 = arith.muli %arg0, %mul3A_63 : i32
    %add3A_65 = arith.addi %mul3A_64, %arg1 : i32
    %mul3A_66 = arith.constant 5120 : i32
    %mul3A_67 = arith.muli %add3A_65, %mul3A_66 : i32
    "tpu.region"() ({
      %run_scoped3A = tpu.sem_alloc : memref<!tpu.dma_semaphore, #tpu.memory_space<semaphore_mem>>
      %dma_start3A_68 = tpu.memref_slice %arg5[%mul3A_67] : memref<163840xf32, #tpu.memory_space<hbm>> -> memref<5120xf32, #tpu.memory_space<hbm>>
      %dma_start3A_69 = tpu.memref_slice %arg5[%mul3A_67] : memref<163840xf32, #tpu.memory_space<hbm>> -> memref<5120xf32, #tpu.memory_space<hbm>>
      tpu.enqueue_dma source(%arg9 : memref<5120xf32, #tpu.memory_space<vmem>>) target(%dma_start3A_69 : memref<5120xf32, #tpu.memory_space<hbm>>) target_semaphore(%run_scoped3A : memref<!tpu.dma_semaphore, #tpu.memory_space<semaphore_mem>>)
      %dma_wait3A_70 = tpu.memref_slice %arg5[%mul3A_67] : memref<163840xf32, #tpu.memory_space<hbm>> -> memref<5120xf32, #tpu.memory_space<hbm>>
      %dma_wait3A_71 = tpu.memref_slice %arg5[%mul3A_67] : memref<163840xf32, #tpu.memory_space<hbm>> -> memref<5120xf32, #tpu.memory_space<hbm>>
      tpu.wait_dma2 semaphore(%run_scoped3A : memref<!tpu.dma_semaphore, #tpu.memory_space<semaphore_mem>>) src(%arg9 : memref<5120xf32, #tpu.memory_space<vmem>>) dst(%dma_wait3A_71 : memref<5120xf32, #tpu.memory_space<hbm>>)
      tpu.yield
    }) : () -> ()
    return
  }
}

#map = affine_map<(d0, d1) -> (0)>
#map1 = affine_map<(d0, d1) -> (0, 0)>
#map2 = affine_map<(d0, d1) -> (0, 0, 0)>
module attributes {stable_mosaic.version = 14 : i64} {
  func.func @_agg_body(%arg0: i32, %arg1: i32, %arg2: memref<640000xi32, #tpu.memory_space<hbm>>, %arg3: memref<10240x8xf32, #tpu.memory_space<hbm>>, %arg4: memref<10240x8xf32, #tpu.memory_space<hbm>>, %arg5: memref<2x10240x8xf32, #tpu.memory_space<hbm>>, %arg6: memref<10000xi32, #tpu.memory_space<vmem>>, %arg7: memref<10000xi32, #tpu.memory_space<vmem>>, %arg8: memref<79x128x8xf32, #tpu.memory_space<vmem>>, %arg9: memref<640x8xf32, #tpu.memory_space<vmem>>, %arg10: memref<10240x8xf32, #tpu.memory_space<vmem_shared>>, %arg11: memref<10240x8xf32, #tpu.memory_space<vmem_shared>>, %arg12: memref<!tpu.dma_semaphore, #tpu.memory_space<semaphore_mem>>) attributes {dimension_semantics = [#tpu.dimension_semantics<core_parallel>, #tpu.dimension_semantics<subcore_parallel>], iteration_bounds = array<i64: 2, 16>, scalar_prefetch = 0 : i64, scratch_operands = 7 : i64, tpu.core_type = #tpu.core_type<sc_vector_subcore>, window_params = [{transform_indices = #map}, {transform_indices = #map1}, {transform_indices = #map1}, {transform_indices = #map2}]} {
    %mul3A = arith.constant 2 : i32
    %mul3A_0 = arith.muli %arg1, %mul3A : i32
    %add3A = arith.addi %mul3A_0, %arg0 : i32
    %mul3A_1 = arith.constant 10000 : i32
    %mul3A_2 = arith.muli %add3A, %mul3A_1 : i32
    "tpu.region"() ({
      %run_scoped3A = tpu.sem_alloc : memref<!tpu.dma_semaphore, #tpu.memory_space<semaphore_mem>>
      %dma_start3A_69 = tpu.memref_slice %arg2[%mul3A_2] : memref<640000xi32, #tpu.memory_space<hbm>> -> memref<10000xi32, #tpu.memory_space<hbm>>
      %dma_start3A_70 = tpu.memref_slice %arg2[%mul3A_2] : memref<640000xi32, #tpu.memory_space<hbm>> -> memref<10000xi32, #tpu.memory_space<hbm>>
      tpu.enqueue_dma source(%dma_start3A_70 : memref<10000xi32, #tpu.memory_space<hbm>>) target(%arg6 : memref<10000xi32, #tpu.memory_space<vmem>>) target_semaphore(%run_scoped3A : memref<!tpu.dma_semaphore, #tpu.memory_space<semaphore_mem>>)
      %dma_wait3A_71 = tpu.memref_slice %arg2[%mul3A_2] : memref<640000xi32, #tpu.memory_space<hbm>> -> memref<10000xi32, #tpu.memory_space<hbm>>
      %dma_wait3A_72 = tpu.memref_slice %arg2[%mul3A_2] : memref<640000xi32, #tpu.memory_space<hbm>> -> memref<10000xi32, #tpu.memory_space<hbm>>
      tpu.wait_dma2 semaphore(%run_scoped3A : memref<!tpu.dma_semaphore, #tpu.memory_space<semaphore_mem>>) src(%dma_wait3A_72 : memref<10000xi32, #tpu.memory_space<hbm>>) dst(%arg6 : memref<10000xi32, #tpu.memory_space<vmem>>)
      tpu.yield
    }) : () -> ()
    %add3A_3 = arith.constant 320000 : i32
    %add3A_4 = arith.addi %add3A_3, %mul3A_2 : i32
    "tpu.region"() ({
      %run_scoped3A = tpu.sem_alloc : memref<!tpu.dma_semaphore, #tpu.memory_space<semaphore_mem>>
      %dma_start3A_69 = tpu.memref_slice %arg2[%add3A_4] : memref<640000xi32, #tpu.memory_space<hbm>> -> memref<10000xi32, #tpu.memory_space<hbm>>
      %dma_start3A_70 = tpu.memref_slice %arg2[%add3A_4] : memref<640000xi32, #tpu.memory_space<hbm>> -> memref<10000xi32, #tpu.memory_space<hbm>>
      tpu.enqueue_dma source(%dma_start3A_70 : memref<10000xi32, #tpu.memory_space<hbm>>) target(%arg7 : memref<10000xi32, #tpu.memory_space<vmem>>) target_semaphore(%run_scoped3A : memref<!tpu.dma_semaphore, #tpu.memory_space<semaphore_mem>>)
      %dma_wait3A_71 = tpu.memref_slice %arg2[%add3A_4] : memref<640000xi32, #tpu.memory_space<hbm>> -> memref<10000xi32, #tpu.memory_space<hbm>>
      %dma_wait3A_72 = tpu.memref_slice %arg2[%add3A_4] : memref<640000xi32, #tpu.memory_space<hbm>> -> memref<10000xi32, #tpu.memory_space<hbm>>
      tpu.wait_dma2 semaphore(%run_scoped3A : memref<!tpu.dma_semaphore, #tpu.memory_space<semaphore_mem>>) src(%dma_wait3A_72 : memref<10000xi32, #tpu.memory_space<hbm>>) dst(%arg7 : memref<10000xi32, #tpu.memory_space<vmem>>)
      tpu.yield
    }) : () -> ()
    %mul3A_5 = arith.constant 640 : i32
    %mul3A_6 = arith.muli %arg1, %mul3A_5 : i32
    "tpu.region"() ({
      %run_scoped3A = tpu.sem_alloc : memref<!tpu.dma_semaphore, #tpu.memory_space<semaphore_mem>>
      %dma_start3A_69 = arith.constant 0 : i32
      %dma_start3A_70 = tpu.memref_slice %arg10[%mul3A_6, %dma_start3A_69] : memref<10240x8xf32, #tpu.memory_space<vmem_shared>> -> memref<640x8xf32, #tpu.memory_space<vmem_shared>>
      %dma_start3A_71 = arith.constant 0 : i32
      %dma_start3A_72 = tpu.memref_slice %arg4[%mul3A_6, %dma_start3A_71] : memref<10240x8xf32, #tpu.memory_space<hbm>> -> memref<640x8xf32, #tpu.memory_space<hbm>>
      tpu.enqueue_dma source(%dma_start3A_72 : memref<640x8xf32, #tpu.memory_space<hbm>>) target(%dma_start3A_70 : memref<640x8xf32, #tpu.memory_space<vmem_shared>>) target_semaphore(%run_scoped3A : memref<!tpu.dma_semaphore, #tpu.memory_space<semaphore_mem>>)
      %dma_wait3A_73 = arith.constant 0 : i32
      %dma_wait3A_74 = tpu.memref_slice %arg10[%mul3A_6, %dma_wait3A_73] : memref<10240x8xf32, #tpu.memory_space<vmem_shared>> -> memref<640x8xf32, #tpu.memory_space<vmem_shared>>
      %dma_wait3A_75 = arith.constant 0 : i32
      %dma_wait3A_76 = tpu.memref_slice %arg4[%mul3A_6, %dma_wait3A_75] : memref<10240x8xf32, #tpu.memory_space<hbm>> -> memref<640x8xf32, #tpu.memory_space<hbm>>
      tpu.wait_dma2 semaphore(%run_scoped3A : memref<!tpu.dma_semaphore, #tpu.memory_space<semaphore_mem>>) src(%dma_wait3A_76 : memref<640x8xf32, #tpu.memory_space<hbm>>) dst(%dma_wait3A_74 : memref<640x8xf32, #tpu.memory_space<vmem_shared>>)
      tpu.yield
    }) : () -> ()
    "tpu.region"() ({
      %run_scoped3A = tpu.sem_alloc : memref<!tpu.dma_semaphore, #tpu.memory_space<semaphore_mem>>
      %dma_start3A_69 = arith.constant 0 : i32
      %dma_start3A_70 = tpu.memref_slice %arg11[%mul3A_6, %dma_start3A_69] : memref<10240x8xf32, #tpu.memory_space<vmem_shared>> -> memref<640x8xf32, #tpu.memory_space<vmem_shared>>
      %dma_start3A_71 = arith.constant 0 : i32
      %dma_start3A_72 = tpu.memref_slice %arg3[%mul3A_6, %dma_start3A_71] : memref<10240x8xf32, #tpu.memory_space<hbm>> -> memref<640x8xf32, #tpu.memory_space<hbm>>
      tpu.enqueue_dma source(%dma_start3A_72 : memref<640x8xf32, #tpu.memory_space<hbm>>) target(%dma_start3A_70 : memref<640x8xf32, #tpu.memory_space<vmem_shared>>) target_semaphore(%run_scoped3A : memref<!tpu.dma_semaphore, #tpu.memory_space<semaphore_mem>>)
      %dma_wait3A_73 = arith.constant 0 : i32
      %dma_wait3A_74 = tpu.memref_slice %arg11[%mul3A_6, %dma_wait3A_73] : memref<10240x8xf32, #tpu.memory_space<vmem_shared>> -> memref<640x8xf32, #tpu.memory_space<vmem_shared>>
      %dma_wait3A_75 = arith.constant 0 : i32
      %dma_wait3A_76 = tpu.memref_slice %arg3[%mul3A_6, %dma_wait3A_75] : memref<10240x8xf32, #tpu.memory_space<hbm>> -> memref<640x8xf32, #tpu.memory_space<hbm>>
      tpu.wait_dma2 semaphore(%run_scoped3A : memref<!tpu.dma_semaphore, #tpu.memory_space<semaphore_mem>>) src(%dma_wait3A_76 : memref<640x8xf32, #tpu.memory_space<hbm>>) dst(%dma_wait3A_74 : memref<640x8xf32, #tpu.memory_space<vmem_shared>>)
      tpu.yield
    }) : () -> ()
    %barrier3A = arith.constant 0 : index
    tpu.barrier barrier_id(%barrier3A)
    %scan3A = arith.constant 0 : i32
    %scan3A_7 = arith.constant 0 : i32
    %scan3A_8 = arith.constant 78 : i32
    %scan3A_9 = arith.addi %scan3A_7, %scan3A_8 : i32
    %scan3A_10 = arith.constant 1 : i32
    scf.for %scan3A_69 = %scan3A_7 to %scan3A_9 step %scan3A_10  : i32 {
      %mul3A_70 = arith.constant 128 : i32
      %mul3A_71 = arith.muli %scan3A_69, %mul3A_70 : i32
      %multiple_of3A = tpu.assume_multiple %mul3A_71, 128 : i32
      %dma_start3A_72 = arith.constant 0 : i32
      %dma_start3A_73 = arith.constant 0 : i32
      %dma_start3A_74 = tpu.memref_slice %arg8[%scan3A_69, %dma_start3A_72, %dma_start3A_73] : memref<79x128x8xf32, #tpu.memory_space<vmem>> -> memref<1x128x8xf32, #tpu.memory_space<vmem>>
      %dma_start3A_75 = tpu.memref_squeeze %dma_start3A_74 : memref<1x128x8xf32, #tpu.memory_space<vmem>> -> memref<128x8xf32, #tpu.memory_space<vmem>>
      %dma_start3A_76 = tpu.memref_slice %arg6[%multiple_of3A] : memref<10000xi32, #tpu.memory_space<vmem>> -> memref<128xi32, #tpu.memory_space<vmem>>
      %dma_start3A_77 = arith.constant 0 : i32
      %dma_start3A_78 = arith.constant 0 : i32
      %dma_start3A_79 = tpu.memref_slice %arg11[%dma_start3A_77, %dma_start3A_78] : memref<10240x8xf32, #tpu.memory_space<vmem_shared>> -> memref<10240x8xf32, #tpu.memory_space<vmem_shared>>
      tpu.enqueue_indirect_dma source(%dma_start3A_79 : memref<10240x8xf32, #tpu.memory_space<vmem_shared>>) target(%dma_start3A_75 : memref<128x8xf32, #tpu.memory_space<vmem>>) offsets(%dma_start3A_76 : memref<128xi32, #tpu.memory_space<vmem>>) semaphore(%arg12 : memref<!tpu.dma_semaphore, #tpu.memory_space<semaphore_mem>>)
    }
    %scan3A_11 = arith.constant 78 : i32
    %dma_start3A = arith.constant 78 : i32
    %dma_start3A_12 = arith.constant 0 : i32
    %dma_start3A_13 = arith.constant 0 : i32
    %dma_start3A_14 = tpu.memref_slice %arg8[%dma_start3A, %dma_start3A_12, %dma_start3A_13] : memref<79x128x8xf32, #tpu.memory_space<vmem>> -> memref<1x16x8xf32, #tpu.memory_space<vmem>>
    %dma_start3A_15 = tpu.memref_squeeze %dma_start3A_14 : memref<1x16x8xf32, #tpu.memory_space<vmem>> -> memref<16x8xf32, #tpu.memory_space<vmem>>
    %dma_start3A_16 = arith.constant 9984 : i32
    %dma_start3A_17 = tpu.memref_slice %arg6[%dma_start3A_16] : memref<10000xi32, #tpu.memory_space<vmem>> -> memref<16xi32, #tpu.memory_space<vmem>>
    %dma_start3A_18 = arith.constant 0 : i32
    %dma_start3A_19 = arith.constant 0 : i32
    %dma_start3A_20 = tpu.memref_slice %arg11[%dma_start3A_18, %dma_start3A_19] : memref<10240x8xf32, #tpu.memory_space<vmem_shared>> -> memref<10240x8xf32, #tpu.memory_space<vmem_shared>>
    tpu.enqueue_indirect_dma source(%dma_start3A_20 : memref<10240x8xf32, #tpu.memory_space<vmem_shared>>) target(%dma_start3A_15 : memref<16x8xf32, #tpu.memory_space<vmem>>) offsets(%dma_start3A_17 : memref<16xi32, #tpu.memory_space<vmem>>) semaphore(%arg12 : memref<!tpu.dma_semaphore, #tpu.memory_space<semaphore_mem>>)
    %scan3A_21 = arith.constant 0 : i32
    %scan3A_22 = arith.constant 0 : i32
    %scan3A_23 = arith.constant 78 : i32
    %scan3A_24 = arith.addi %scan3A_22, %scan3A_23 : i32
    %scan3A_25 = arith.constant 1 : i32
    scf.for %scan3A_69 = %scan3A_22 to %scan3A_24 step %scan3A_25  : i32 {
      %mul3A_70 = arith.constant 128 : i32
      %mul3A_71 = arith.muli %scan3A_69, %mul3A_70 : i32
      %multiple_of3A = tpu.assume_multiple %mul3A_71, 128 : i32
      %dma_wait3A_72 = arith.constant 0 : i32
      %dma_wait3A_73 = arith.constant 0 : i32
      %dma_wait3A_74 = tpu.memref_slice %arg8[%scan3A_69, %dma_wait3A_72, %dma_wait3A_73] : memref<79x128x8xf32, #tpu.memory_space<vmem>> -> memref<1x128x8xf32, #tpu.memory_space<vmem>>
      %dma_wait3A_75 = tpu.memref_squeeze %dma_wait3A_74 : memref<1x128x8xf32, #tpu.memory_space<vmem>> -> memref<128x8xf32, #tpu.memory_space<vmem>>
      %dma_wait3A_76 = tpu.memref_slice %arg6[%multiple_of3A] : memref<10000xi32, #tpu.memory_space<vmem>> -> memref<128xi32, #tpu.memory_space<vmem>>
      %dma_wait3A_77 = arith.constant 0 : i32
      %dma_wait3A_78 = arith.constant 0 : i32
      %dma_wait3A_79 = tpu.memref_slice %arg11[%dma_wait3A_77, %dma_wait3A_78] : memref<10240x8xf32, #tpu.memory_space<vmem_shared>> -> memref<10240x8xf32, #tpu.memory_space<vmem_shared>>
      tpu.wait_indirect_dma semaphore(%arg12 : memref<!tpu.dma_semaphore, #tpu.memory_space<semaphore_mem>>) src(%dma_wait3A_79 : memref<10240x8xf32, #tpu.memory_space<vmem_shared>>) dst(%dma_wait3A_75 : memref<128x8xf32, #tpu.memory_space<vmem>>)
    }
    %scan3A_26 = arith.constant 78 : i32
    %dma_wait3A = arith.constant 78 : i32
    %dma_wait3A_27 = arith.constant 0 : i32
    %dma_wait3A_28 = arith.constant 0 : i32
    %dma_wait3A_29 = tpu.memref_slice %arg8[%dma_wait3A, %dma_wait3A_27, %dma_wait3A_28] : memref<79x128x8xf32, #tpu.memory_space<vmem>> -> memref<1x16x8xf32, #tpu.memory_space<vmem>>
    %dma_wait3A_30 = tpu.memref_squeeze %dma_wait3A_29 : memref<1x16x8xf32, #tpu.memory_space<vmem>> -> memref<16x8xf32, #tpu.memory_space<vmem>>
    %dma_wait3A_31 = arith.constant 9984 : i32
    %dma_wait3A_32 = tpu.memref_slice %arg6[%dma_wait3A_31] : memref<10000xi32, #tpu.memory_space<vmem>> -> memref<16xi32, #tpu.memory_space<vmem>>
    %dma_wait3A_33 = arith.constant 0 : i32
    %dma_wait3A_34 = arith.constant 0 : i32
    %dma_wait3A_35 = tpu.memref_slice %arg11[%dma_wait3A_33, %dma_wait3A_34] : memref<10240x8xf32, #tpu.memory_space<vmem_shared>> -> memref<10240x8xf32, #tpu.memory_space<vmem_shared>>
    tpu.wait_indirect_dma semaphore(%arg12 : memref<!tpu.dma_semaphore, #tpu.memory_space<semaphore_mem>>) src(%dma_wait3A_35 : memref<10240x8xf32, #tpu.memory_space<vmem_shared>>) dst(%dma_wait3A_30 : memref<16x8xf32, #tpu.memory_space<vmem>>)
    %scan3A_36 = arith.constant 0 : i32
    %scan3A_37 = arith.constant 0 : i32
    %scan3A_38 = arith.constant 78 : i32
    %scan3A_39 = arith.addi %scan3A_37, %scan3A_38 : i32
    %scan3A_40 = arith.constant 1 : i32
    scf.for %scan3A_69 = %scan3A_37 to %scan3A_39 step %scan3A_40  : i32 {
      %mul3A_70 = arith.constant 128 : i32
      %mul3A_71 = arith.muli %scan3A_69, %mul3A_70 : i32
      %multiple_of3A = tpu.assume_multiple %mul3A_71, 128 : i32
      %dma_start3A_72 = arith.constant 0 : i32
      %dma_start3A_73 = arith.constant 0 : i32
      %dma_start3A_74 = tpu.memref_slice %arg8[%scan3A_69, %dma_start3A_72, %dma_start3A_73] : memref<79x128x8xf32, #tpu.memory_space<vmem>> -> memref<1x128x8xf32, #tpu.memory_space<vmem>>
      %dma_start3A_75 = tpu.memref_squeeze %dma_start3A_74 : memref<1x128x8xf32, #tpu.memory_space<vmem>> -> memref<128x8xf32, #tpu.memory_space<vmem>>
      %dma_start3A_76 = tpu.memref_slice %arg7[%multiple_of3A] : memref<10000xi32, #tpu.memory_space<vmem>> -> memref<128xi32, #tpu.memory_space<vmem>>
      %dma_start3A_77 = arith.constant 0 : i32
      %dma_start3A_78 = arith.constant 0 : i32
      %dma_start3A_79 = tpu.memref_slice %arg10[%dma_start3A_77, %dma_start3A_78] : memref<10240x8xf32, #tpu.memory_space<vmem_shared>> -> memref<10240x8xf32, #tpu.memory_space<vmem_shared>>
      tpu.enqueue_indirect_dma source(%dma_start3A_75 : memref<128x8xf32, #tpu.memory_space<vmem>>) target(%dma_start3A_79 : memref<10240x8xf32, #tpu.memory_space<vmem_shared>>) offsets(%dma_start3A_76 : memref<128xi32, #tpu.memory_space<vmem>>) semaphore(%arg12 : memref<!tpu.dma_semaphore, #tpu.memory_space<semaphore_mem>>) {add = true}
    }
    %scan3A_41 = arith.constant 78 : i32
    %dma_start3A_42 = arith.constant 78 : i32
    %dma_start3A_43 = arith.constant 0 : i32
    %dma_start3A_44 = arith.constant 0 : i32
    %dma_start3A_45 = tpu.memref_slice %arg8[%dma_start3A_42, %dma_start3A_43, %dma_start3A_44] : memref<79x128x8xf32, #tpu.memory_space<vmem>> -> memref<1x16x8xf32, #tpu.memory_space<vmem>>
    %dma_start3A_46 = tpu.memref_squeeze %dma_start3A_45 : memref<1x16x8xf32, #tpu.memory_space<vmem>> -> memref<16x8xf32, #tpu.memory_space<vmem>>
    %dma_start3A_47 = arith.constant 9984 : i32
    %dma_start3A_48 = tpu.memref_slice %arg7[%dma_start3A_47] : memref<10000xi32, #tpu.memory_space<vmem>> -> memref<16xi32, #tpu.memory_space<vmem>>
    %dma_start3A_49 = arith.constant 0 : i32
    %dma_start3A_50 = arith.constant 0 : i32
    %dma_start3A_51 = tpu.memref_slice %arg10[%dma_start3A_49, %dma_start3A_50] : memref<10240x8xf32, #tpu.memory_space<vmem_shared>> -> memref<10240x8xf32, #tpu.memory_space<vmem_shared>>
    tpu.enqueue_indirect_dma source(%dma_start3A_46 : memref<16x8xf32, #tpu.memory_space<vmem>>) target(%dma_start3A_51 : memref<10240x8xf32, #tpu.memory_space<vmem_shared>>) offsets(%dma_start3A_48 : memref<16xi32, #tpu.memory_space<vmem>>) semaphore(%arg12 : memref<!tpu.dma_semaphore, #tpu.memory_space<semaphore_mem>>) {add = true}
    %scan3A_52 = arith.constant 0 : i32
    %scan3A_53 = arith.constant 0 : i32
    %scan3A_54 = arith.constant 78 : i32
    %scan3A_55 = arith.addi %scan3A_53, %scan3A_54 : i32
    %scan3A_56 = arith.constant 1 : i32
    scf.for %scan3A_69 = %scan3A_53 to %scan3A_55 step %scan3A_56  : i32 {
      %mul3A_70 = arith.constant 128 : i32
      %mul3A_71 = arith.muli %scan3A_69, %mul3A_70 : i32
      %multiple_of3A = tpu.assume_multiple %mul3A_71, 128 : i32
      %dma_wait3A_72 = arith.constant 0 : i32
      %dma_wait3A_73 = arith.constant 0 : i32
      %dma_wait3A_74 = tpu.memref_slice %arg8[%scan3A_69, %dma_wait3A_72, %dma_wait3A_73] : memref<79x128x8xf32, #tpu.memory_space<vmem>> -> memref<1x128x8xf32, #tpu.memory_space<vmem>>
      %dma_wait3A_75 = tpu.memref_squeeze %dma_wait3A_74 : memref<1x128x8xf32, #tpu.memory_space<vmem>> -> memref<128x8xf32, #tpu.memory_space<vmem>>
      %dma_wait3A_76 = tpu.memref_slice %arg7[%multiple_of3A] : memref<10000xi32, #tpu.memory_space<vmem>> -> memref<128xi32, #tpu.memory_space<vmem>>
      %dma_wait3A_77 = arith.constant 0 : i32
      %dma_wait3A_78 = arith.constant 0 : i32
      %dma_wait3A_79 = tpu.memref_slice %arg10[%dma_wait3A_77, %dma_wait3A_78] : memref<10240x8xf32, #tpu.memory_space<vmem_shared>> -> memref<10240x8xf32, #tpu.memory_space<vmem_shared>>
      tpu.wait_indirect_dma semaphore(%arg12 : memref<!tpu.dma_semaphore, #tpu.memory_space<semaphore_mem>>) src(%dma_wait3A_75 : memref<128x8xf32, #tpu.memory_space<vmem>>) dst(%dma_wait3A_79 : memref<10240x8xf32, #tpu.memory_space<vmem_shared>>)
    }
    %scan3A_57 = arith.constant 78 : i32
    %dma_wait3A_58 = arith.constant 78 : i32
    %dma_wait3A_59 = arith.constant 0 : i32
    %dma_wait3A_60 = arith.constant 0 : i32
    %dma_wait3A_61 = tpu.memref_slice %arg8[%dma_wait3A_58, %dma_wait3A_59, %dma_wait3A_60] : memref<79x128x8xf32, #tpu.memory_space<vmem>> -> memref<1x16x8xf32, #tpu.memory_space<vmem>>
    %dma_wait3A_62 = tpu.memref_squeeze %dma_wait3A_61 : memref<1x16x8xf32, #tpu.memory_space<vmem>> -> memref<16x8xf32, #tpu.memory_space<vmem>>
    %dma_wait3A_63 = arith.constant 9984 : i32
    %dma_wait3A_64 = tpu.memref_slice %arg7[%dma_wait3A_63] : memref<10000xi32, #tpu.memory_space<vmem>> -> memref<16xi32, #tpu.memory_space<vmem>>
    %dma_wait3A_65 = arith.constant 0 : i32
    %dma_wait3A_66 = arith.constant 0 : i32
    %dma_wait3A_67 = tpu.memref_slice %arg10[%dma_wait3A_65, %dma_wait3A_66] : memref<10240x8xf32, #tpu.memory_space<vmem_shared>> -> memref<10240x8xf32, #tpu.memory_space<vmem_shared>>
    tpu.wait_indirect_dma semaphore(%arg12 : memref<!tpu.dma_semaphore, #tpu.memory_space<semaphore_mem>>) src(%dma_wait3A_62 : memref<16x8xf32, #tpu.memory_space<vmem>>) dst(%dma_wait3A_67 : memref<10240x8xf32, #tpu.memory_space<vmem_shared>>)
    %barrier3A_68 = arith.constant 0 : index
    tpu.barrier barrier_id(%barrier3A_68)
    "tpu.region"() ({
      %run_scoped3A = tpu.sem_alloc : memref<!tpu.dma_semaphore, #tpu.memory_space<semaphore_mem>>
      %dma_start3A_69 = arith.constant 0 : i32
      %dma_start3A_70 = tpu.memref_slice %arg10[%mul3A_6, %dma_start3A_69] : memref<10240x8xf32, #tpu.memory_space<vmem_shared>> -> memref<640x8xf32, #tpu.memory_space<vmem_shared>>
      %dma_start3A_71 = arith.constant 0 : i32
      %dma_start3A_72 = tpu.memref_slice %arg10[%mul3A_6, %dma_start3A_71] : memref<10240x8xf32, #tpu.memory_space<vmem_shared>> -> memref<640x8xf32, #tpu.memory_space<vmem_shared>>
      tpu.enqueue_dma source(%dma_start3A_72 : memref<640x8xf32, #tpu.memory_space<vmem_shared>>) target(%arg9 : memref<640x8xf32, #tpu.memory_space<vmem>>) target_semaphore(%run_scoped3A : memref<!tpu.dma_semaphore, #tpu.memory_space<semaphore_mem>>)
      %dma_wait3A_73 = arith.constant 0 : i32
      %dma_wait3A_74 = tpu.memref_slice %arg10[%mul3A_6, %dma_wait3A_73] : memref<10240x8xf32, #tpu.memory_space<vmem_shared>> -> memref<640x8xf32, #tpu.memory_space<vmem_shared>>
      %dma_wait3A_75 = arith.constant 0 : i32
      %dma_wait3A_76 = tpu.memref_slice %arg10[%mul3A_6, %dma_wait3A_75] : memref<10240x8xf32, #tpu.memory_space<vmem_shared>> -> memref<640x8xf32, #tpu.memory_space<vmem_shared>>
      tpu.wait_dma2 semaphore(%run_scoped3A : memref<!tpu.dma_semaphore, #tpu.memory_space<semaphore_mem>>) src(%dma_wait3A_76 : memref<640x8xf32, #tpu.memory_space<vmem_shared>>) dst(%arg9 : memref<640x8xf32, #tpu.memory_space<vmem>>)
      tpu.yield
    }) : () -> ()
    "tpu.region"() ({
      %run_scoped3A = tpu.sem_alloc : memref<!tpu.dma_semaphore, #tpu.memory_space<semaphore_mem>>
      %dma_start3A_69 = arith.constant 0 : i32
      %dma_start3A_70 = tpu.memref_slice %arg5[%arg0, %mul3A_6, %dma_start3A_69] : memref<2x10240x8xf32, #tpu.memory_space<hbm>> -> memref<1x640x8xf32, #tpu.memory_space<hbm>>
      %dma_start3A_71 = tpu.memref_squeeze %dma_start3A_70 : memref<1x640x8xf32, #tpu.memory_space<hbm>> -> memref<640x8xf32, #tpu.memory_space<hbm>>
      %dma_start3A_72 = arith.constant 0 : i32
      %dma_start3A_73 = tpu.memref_slice %arg5[%arg0, %mul3A_6, %dma_start3A_72] : memref<2x10240x8xf32, #tpu.memory_space<hbm>> -> memref<1x640x8xf32, #tpu.memory_space<hbm>>
      %dma_start3A_74 = tpu.memref_squeeze %dma_start3A_73 : memref<1x640x8xf32, #tpu.memory_space<hbm>> -> memref<640x8xf32, #tpu.memory_space<hbm>>
      tpu.enqueue_dma source(%arg9 : memref<640x8xf32, #tpu.memory_space<vmem>>) target(%dma_start3A_74 : memref<640x8xf32, #tpu.memory_space<hbm>>) target_semaphore(%run_scoped3A : memref<!tpu.dma_semaphore, #tpu.memory_space<semaphore_mem>>)
      %dma_wait3A_75 = arith.constant 0 : i32
      %dma_wait3A_76 = tpu.memref_slice %arg5[%arg0, %mul3A_6, %dma_wait3A_75] : memref<2x10240x8xf32, #tpu.memory_space<hbm>> -> memref<1x640x8xf32, #tpu.memory_space<hbm>>
      %dma_wait3A_77 = tpu.memref_squeeze %dma_wait3A_76 : memref<1x640x8xf32, #tpu.memory_space<hbm>> -> memref<640x8xf32, #tpu.memory_space<hbm>>
      %dma_wait3A_78 = arith.constant 0 : i32
      %dma_wait3A_79 = tpu.memref_slice %arg5[%arg0, %mul3A_6, %dma_wait3A_78] : memref<2x10240x8xf32, #tpu.memory_space<hbm>> -> memref<1x640x8xf32, #tpu.memory_space<hbm>>
      %dma_wait3A_80 = tpu.memref_squeeze %dma_wait3A_79 : memref<1x640x8xf32, #tpu.memory_space<hbm>> -> memref<640x8xf32, #tpu.memory_space<hbm>>
      tpu.wait_dma2 semaphore(%run_scoped3A : memref<!tpu.dma_semaphore, #tpu.memory_space<semaphore_mem>>) src(%arg9 : memref<640x8xf32, #tpu.memory_space<vmem>>) dst(%dma_wait3A_80 : memref<640x8xf32, #tpu.memory_space<hbm>>)
      tpu.yield
    }) : () -> ()
    return
  }
}

module attributes {stable_mosaic.version = 14 : i64} {
  func.func @_mm_body(%arg0: i32, %arg1: memref<128x16x128xf32, #tpu.memory_space<vmem>>, %arg2: memref<128x8xf32, #tpu.memory_space<vmem>>, %arg3: memref<128x128xf32, #tpu.memory_space<vmem>>) attributes {dimension_semantics = [#tpu.dimension_semantics<arbitrary>], iteration_bounds = array<i64: 5>, scalar_prefetch = 0 : i64, scratch_operands = 0 : i64, tpu.core_type = #tpu.core_type<tc>, window_params = [{transform_indices = @transform_0, window_bounds = array<i64: 128, 16, 128>}, {pipeline_mode = #tpu.pipeline_mode<synchronous>, transform_indices = @transform_1, window_bounds = array<i64: 128, 8>}, {transform_indices = @transform_2, window_bounds = array<i64: 128, 128>}]} {
    %get3A = arith.constant 0 : index
    %get3A_0 = arith.constant 0 : index
    %get3A_1 = arith.constant 0 : index
    %get3A_2 = vector.load %arg1[%get3A, %get3A_0, %get3A_1] : memref<128x16x128xf32, #tpu.memory_space<vmem>>, vector<128x16x128xf32>
    %get3A_3 = arith.constant 0 : index
    %get3A_4 = arith.constant 0 : index
    %get3A_5 = vector.load %arg2[%get3A_3, %get3A_4] : memref<128x8xf32, #tpu.memory_space<vmem>>, vector<128x8xf32>
    %dot_general3A = arith.constant dense<0.000000e+00> : vector<128x16x8xf32>
    %dot_general3A_6 = tpu.matmul %get3A_2, %get3A_5, %dot_general3A {dimension_numbers = #tpu.dot_dimension_numbers<[2], [0], [0, 1], [1], [0, 0, 0, 1, 1, 1], [], []>, transpose_lhs_hint = false} : vector<128x16x128xf32>, vector<128x8xf32>, vector<128x16x8xf32> -> vector<128x16x8xf32>
    %reshape3A = vector.shape_cast %dot_general3A_6 : vector<128x16x8xf32> to vector<128x128xf32>
    %swap3A = arith.constant 0 : index
    %swap3A_7 = arith.constant 0 : index
    %swap3A_8 = vector.load %arg3[%swap3A, %swap3A_7] : memref<128x128xf32, #tpu.memory_space<vmem>>, vector<128x128xf32>
    tpu.vector_store %arg3[%swap3A, %swap3A_7], %reshape3A {strides = array<i32>} : memref<128x128xf32, #tpu.memory_space<vmem>>, vector<128x128xf32>,
    return
  }
  func.func @transform_0(%arg0: i32) -> (i32, i32, i32) {
    %c0_i32 = arith.constant 0 : i32
    %c0_i32_0 = arith.constant 0 : i32
    %c0_i32_1 = arith.constant 0 : i32
    return %arg0, %c0_i32, %c0_i32_0 : i32, i32, i32
  }
  func.func @transform_1(%arg0: i32) -> (i32, i32) {
    %c0_i32 = arith.constant 0 : i32
    %c0_i32_0 = arith.constant 0 : i32
    %c0_i32_1 = arith.constant 0 : i32
    return %c0_i32, %c0_i32_0 : i32, i32
  }
  func.func @transform_2(%arg0: i32) -> (i32, i32) {
    %c0_i32 = arith.constant 0 : i32
    %c0_i32_0 = arith.constant 0 : i32
    return %arg0, %c0_i32 : i32, i32
  }
}

module attributes {stable_mosaic.version = 14 : i64} {
  func.func @_norm_body(%arg0: i32, %arg1: memref<128x128xf32, #tpu.memory_space<vmem>>, %arg2: memref<128x128xf32, #tpu.memory_space<vmem>>, %arg3: memref<128x128xf32, #tpu.memory_space<vmem>>) attributes {dimension_semantics = [#tpu.dimension_semantics<arbitrary>], iteration_bounds = array<i64: 5>, scalar_prefetch = 0 : i64, scratch_operands = 0 : i64, tpu.core_type = #tpu.core_type<tc>, window_params = [{transform_indices = @transform_0, window_bounds = array<i64: 128, 128>}, {transform_indices = @transform_1, window_bounds = array<i64: 128, 128>}, {transform_indices = @transform_2, window_bounds = array<i64: 128, 128>}]} {
    %get3A = arith.constant 0 : index
    %get3A_0 = arith.constant 0 : index
    %get3A_1 = vector.load %arg1[%get3A, %get3A_0] : memref<128x128xf32, #tpu.memory_space<vmem>>, vector<128x128xf32>
    %get3A_2 = arith.constant 0 : index
    %get3A_3 = arith.constant 0 : index
    %get3A_4 = vector.load %arg2[%get3A_2, %get3A_3] : memref<128x128xf32, #tpu.memory_space<vmem>>, vector<128x128xf32>
    %mul3A = arith.mulf %get3A_1, %get3A_4 : vector<128x128xf32>
    %swap3A = arith.constant 0 : index
    %swap3A_5 = arith.constant 0 : index
    %swap3A_6 = vector.load %arg3[%swap3A, %swap3A_5] : memref<128x128xf32, #tpu.memory_space<vmem>>, vector<128x128xf32>
    tpu.vector_store %arg3[%swap3A, %swap3A_5], %mul3A {strides = array<i32>} : memref<128x128xf32, #tpu.memory_space<vmem>>, vector<128x128xf32>,
    return
  }
  func.func @transform_0(%arg0: i32) -> (i32, i32) {
    %c0_i32 = arith.constant 0 : i32
    %c0_i32_0 = arith.constant 0 : i32
    return %arg0, %c0_i32 : i32, i32
  }
  func.func @transform_1(%arg0: i32) -> (i32, i32) {
    %c0_i32 = arith.constant 0 : i32
    %c0_i32_0 = arith.constant 0 : i32
    return %arg0, %c0_i32 : i32, i32
  }
  func.func @transform_2(%arg0: i32) -> (i32, i32) {
    %c0_i32 = arith.constant 0 : i32
    %c0_i32_0 = arith.constant 0 : i32
    return %arg0, %c0_i32 : i32, i32
  }
}

module attributes {stable_mosaic.version = 14 : i64} {
  func.func @_fin_body(%arg0: i32, %arg1: memref<2x128x128xf32, #tpu.memory_space<vmem>>, %arg2: memref<128x128xf32, #tpu.memory_space<vmem>>, %arg3: memref<1x128xf32, #tpu.memory_space<vmem>>, %arg4: memref<128x128xf32, #tpu.memory_space<vmem>>) attributes {dimension_semantics = [#tpu.dimension_semantics<arbitrary>], iteration_bounds = array<i64: 5>, scalar_prefetch = 0 : i64, scratch_operands = 0 : i64, tpu.core_type = #tpu.core_type<tc>, window_params = [{transform_indices = @transform_0, window_bounds = array<i64: 2, 128, 128>}, {transform_indices = @transform_1, window_bounds = array<i64: 128, 128>}, {pipeline_mode = #tpu.pipeline_mode<synchronous>, transform_indices = @transform_2, window_bounds = array<i64: 1, 128>}, {transform_indices = @transform_3, window_bounds = array<i64: 128, 128>}]} {
    %get3A = arith.constant 0 : index
    %get3A_0 = arith.constant 0 : index
    %get3A_1 = arith.constant 0 : index
    %get3A_2 = vector.load %arg1[%get3A, %get3A_0, %get3A_1] : memref<2x128x128xf32, #tpu.memory_space<vmem>>, vector<1x128x128xf32>
    %get3A_3 = vector.shape_cast %get3A_2 : vector<1x128x128xf32> to vector<128x128xf32>
    %get3A_4 = arith.constant 1 : index
    %get3A_5 = arith.constant 0 : index
    %get3A_6 = arith.constant 0 : index
    %get3A_7 = vector.load %arg1[%get3A_4, %get3A_5, %get3A_6] : memref<2x128x128xf32, #tpu.memory_space<vmem>>, vector<1x128x128xf32>
    %get3A_8 = vector.shape_cast %get3A_7 : vector<1x128x128xf32> to vector<128x128xf32>
    %add3A = arith.addf %get3A_3, %get3A_8 : vector<128x128xf32>
    %get3A_9 = arith.constant 0 : index
    %get3A_10 = arith.constant 0 : index
    %get3A_11 = vector.load %arg2[%get3A_9, %get3A_10] : memref<128x128xf32, #tpu.memory_space<vmem>>, vector<128x128xf32>
    %mul3A = arith.mulf %add3A, %get3A_11 : vector<128x128xf32>
    %get3A_12 = arith.constant 0 : index
    %get3A_13 = arith.constant 0 : index
    %get3A_14 = vector.load %arg3[%get3A_12, %get3A_13] : memref<1x128xf32, #tpu.memory_space<vmem>>, vector<1x128xf32>
    %add3A_15 = vector.broadcast %get3A_14 : vector<1x128xf32> to vector<128x128xf32>
    %add3A_16 = arith.addf %mul3A, %add3A_15 : vector<128x128xf32>
    %swap3A = arith.constant 0 : index
    %swap3A_17 = arith.constant 0 : index
    %swap3A_18 = vector.load %arg4[%swap3A, %swap3A_17] : memref<128x128xf32, #tpu.memory_space<vmem>>, vector<128x128xf32>
    tpu.vector_store %arg4[%swap3A, %swap3A_17], %add3A_16 {strides = array<i32>} : memref<128x128xf32, #tpu.memory_space<vmem>>, vector<128x128xf32>,
    return
  }
  func.func @transform_0(%arg0: i32) -> (i32, i32, i32) {
    %c0_i32 = arith.constant 0 : i32
    %c0_i32_0 = arith.constant 0 : i32
    %c0_i32_1 = arith.constant 0 : i32
    return %c0_i32, %arg0, %c0_i32_0 : i32, i32, i32
  }
  func.func @transform_1(%arg0: i32) -> (i32, i32) {
    %c0_i32 = arith.constant 0 : i32
    %c0_i32_0 = arith.constant 0 : i32
    return %arg0, %c0_i32 : i32, i32
  }
  func.func @transform_2(%arg0: i32) -> (i32, i32) {
    %c0_i32 = arith.constant 0 : i32
    %c0_i32_0 = arith.constant 0 : i32
    %c0_i32_1 = arith.constant 0 : i32
    return %c0_i32, %c0_i32_0 : i32, i32
  }
  func.func @transform_3(%arg0: i32) -> (i32, i32) {
    %c0_i32 = arith.constant 0 : i32
    %c0_i32_0 = arith.constant 0 : i32
    return %arg0, %c0_i32 : i32, i32
  }
}

</mosaic_0001>

<sc_bundles>
// kernel: kernel.10.cloned.1.call-start
scs
__scs_entry_jumppad:
0x0: {  	(pc) =	sbr.rel $0x88, $3  }
0x1: {  	(tag) =	ssettag $0x0;
	lr =	simm.s32 $0x1  }
0x2: {  	[smem:$0x3F9D] =	sst lr;
	_ =	strace $0xD0000000  }
0x3: {  	_ = 	snop  }
0x4: {  	_ = 	snop  }
0x5: {  	_ = 	snop  }
0x6: {  	_ = 	snop  }
0x7: {  	_ = 	snop  }
__scs_overlays_trampoline_lowered:
0x8: {  	[smem:$0x3FAC] =	sst s0  }
0x9: {  	[smem:$0x3FAD] =	sst s1  }
0xa: {  	[smem:$0x3FAE] =	sst s2  }
0xb: {  	[smem:$0x3FAF] =	sst s3  }
0xc: {  	[smem:$0x3FB0] =	sst s4  }
0xd: {  	[smem:$0x3FB1] =	sst s5  }
0xe: {  	[smem:$0x3FB2] =	sst s6  }
0xf: {  	[smem:$0x3FB3] =	sst s7  }
0x10: {  	[smem:$0x3FB4] =	sst s8  }
0x11: {  	[smem:$0x3FB5] =	sst s9;
	s0 =	simm.s32 @!p0 $0x0  }
0x12: {  	s1 =	sld [smem:$0x3F9B];
	s0 =	simm.s32 @p0 $0x1  }
0x13: {  	[smem:$0x3FB6] =	sst s0;
	s0 =	simm.s32 @!p1 $0x0  }
0x14: {  	s2 =	sld [smem:$0x3F9A];
	s0 =	simm.s32 @p1 $0x1  }
0x15: {  	[smem:$0x3FB7] =	sst s0;
	s0 =	simm.s32 @!p2 $0x0  }
0x16: {  	s3 =	sld [smem:$0x3FDB];
	s0 =	simm.s32 @p2 $0x1  }
0x17: {  	s4 =	simm.s32 $0x1BF5;
	[smem:$0x3FB9] =	sst s0  }
0x18: {  	s0 =	sld [smem:$0x3F9C];
	_ =	swait.ge [sflag:s4], $0x0  }
0x19: {  	s7 =	sld [smem:$0x3F9D]  }
0x1a: {  	s8 =	sadd.s32 $0xFFFFE003, lr  }
0x1b: {  	s9 =	sadd.s32 $0xFFFFFEF7, lr;
	s5 =	simm.s32 $0xFFFFFFFF;
	p2 =	slt.u32 s8, $0xFFFFF086  }
0x1c: {  	p1 =	slt.u32 s9, $0xF7A;
	s5 =	simm.s32 @!p2 $0x0  }
0x1d: {  	s5 =	simm.s32 @p1 $0x1;
	p0 =	seq.s32 s7, s2  }
0x1e: {  	s7 =	smul.u32 @!p0 $0xF7A, s2;
	p2 =	seq.s32 @!p0 s5, $0x0  }
0x1f: {  	s9 =	smul.u32 $0xF7A, s1;
	s8 =	simm.s32 @!p0 $0x1BF5;
	p2 =	por !p2, p0  }
0x20: {  	[sflag:s8] =	ssyncset.s32 @!p0 $0xFFFFF086;
	s6 =	sadd.s32 @!p0 s3, s7;
	s7 =	simm.s32 @!p0 $0x108  }
0x21: {  	s3 =	sadd.s32 s3, s9;
	s6 =	sadd.s32 @!p0 $0x88, s6;
	s7 =	simm.s32 @p2 $0x1082  }
0x22: {  	[simem:s7], [sflag:s8] =	dma.local @!p0 [hbm:s6], $0xF7A  }
0x23: {  	s9 =	sor.u32 $0xD0000000, s2;
	s6 =	simm.s32 $0x108;
	_ =	swait.ge @!p0 [sflag:s8], $0x0  }
0x24: {  	s3 =	sadd.s32 $0x88, s3;
	s6 =	simm.s32 @!p1 $0x1082;
	[sflag:s4] =	ssyncset.s32 $0xFFFFF086  }
0x25: {  	[simem:s6], [sflag:s4] =	dma.local [hbm:s3], $0xF7A  }
0x26: {  	[smem:$0x3F9D] =	sst s1;
	(tag) =	ssettag s2;
	_ =	strace s9  }
0x27: {  	s1 =	sld [smem:$0x3FAD]  }
0x28: {  	s2 =	sld [smem:$0x3FAE]  }
0x29: {  	s4 =	sld [smem:$0x3FB0]  }
0x2a: {  	p0 =	seq.s32 s5, $0x0;
	s5 =	sld [smem:$0x3FB1]  }
0x2b: {  	s6 =	sld [smem:$0x3FB2]  }
0x2c: {  	s7 =	sld [smem:$0x3FB3]  }
0x2d: {  	s3 =	simm.s32 $0x108;
	s8 =	sld [smem:$0x3FB4]  }
0x2e: {  	s3 =	simm.s32 @!p0 $0x1082;
	s9 =	sld [smem:$0x3FB5]  }
0x2f: {  	lr =	sadd.s32 s0, s3;
	s0 =	sld [smem:$0x3FAC]  }
0x30: {  	s3 =	sld [smem:$0x3FAF]  }
0x31: {  	[smem:$0x3FB8] =	sst s10  }
0x32: {  	s10 =	sld [smem:$0x3FB6];
	_ =	sdelay $0x3  }
0x33: {  	p0 =	seq.s32 s10, $0x1;
	s10 =	sld [smem:$0x3FB8];
	_ =	sdelay $0x3  }
0x34: {  	[smem:$0x3FB8] =	sst s10  }
0x35: {  	s10 =	sld [smem:$0x3FB7];
	_ =	sdelay $0x3  }
0x36: {  	p1 =	seq.s32 s10, $0x1;
	s10 =	sld [smem:$0x3FB8];
	_ =	sdelay $0x3  }
0x37: {  	[smem:$0x3FB8] =	sst s10  }
0x38: {  	s10 =	sld [smem:$0x3FB9]  }
0x39: {  	_ = 	snop;
	(pc) =	sbr.ind lr, $3  }
0x3a: {  	_ = 	snop  }
0x3b: {  	_ = 	snop  }
0x3c: {  	p2 =	seq.s32 s10, $0x1;
	s10 =	sld [smem:$0x3FB8]  }
0x3d: {  	_ =	shalt  }
0x3e: {  	_ =	shalt  }
0x3f: {  	_ =	shalt  }
0x40: {  	_ =	shalt  }
0x41: {  	_ =	shalt  }
0x42: {  	_ =	shalt  }
0x43: {  	_ =	shalt  }
0x44: {  	_ =	shalt  }
0x45: {  	_ =	shalt  }
0x46: {  	_ =	shalt  }
0x47: {  	_ =	shalt  }
0x48: {  	_ =	shalt  }
0x49: {  	_ =	shalt  }
0x4a: {  	_ =	shalt  }
0x4b: {  	_ =	shalt  }
0x4c: {  	_ =	shalt  }
0x4d: {  	_ =	shalt  }
0x4e: {  	_ =	shalt  }
0x4f: {  	_ =	shalt  }
0x50: {  	_ =	shalt  }
0x51: {  	_ =	shalt  }
0x52: {  	_ =	shalt  }
0x53: {  	_ =	shalt  }
0x54: {  	_ =	shalt  }
0x55: {  	_ =	shalt  }
0x56: {  	_ =	shalt  }
0x57: {  	_ =	shalt  }
0x58: {  	_ =	shalt  }
0x59: {  	_ =	shalt  }
0x5a: {  	_ =	shalt  }
0x5b: {  	_ =	shalt  }
0x5c: {  	_ =	shalt  }
0x5d: {  	_ =	shalt  }
0x5e: {  	_ =	shalt  }
0x5f: {  	_ =	shalt  }
0x60: {  	_ =	shalt  }
0x61: {  	_ =	shalt  }
0x62: {  	_ =	shalt  }
0x63: {  	_ =	shalt  }
0x64: {  	_ =	shalt  }
0x65: {  	_ =	shalt  }
0x66: {  	_ =	shalt  }
0x67: {  	_ =	shalt  }
0x68: {  	_ =	shalt  }
0x69: {  	_ =	shalt  }
0x6a: {  	_ =	shalt  }
0x6b: {  	_ =	shalt  }
0x6c: {  	_ =	shalt  }
0x6d: {  	_ =	shalt  }
0x6e: {  	_ =	shalt  }
0x6f: {  	_ =	shalt  }
0x70: {  	_ =	shalt  }
0x71: {  	_ =	shalt  }
0x72: {  	_ =	shalt  }
0x73: {  	_ =	shalt  }
0x74: {  	_ =	shalt  }
0x75: {  	_ =	shalt  }
0x76: {  	_ =	shalt  }
0x77: {  	_ =	shalt  }
0x78: {  	_ =	shalt  }
0x79: {  	_ =	shalt  }
0x7a: {  	_ =	shalt  }
0x7b: {  	_ =	shalt  }
0x7c: {  	_ =	shalt  }
0x7d: {  	_ =	shalt  }
0x7e: {  	_ =	shalt  }
0x7f: {  	_ =	shalt  }
0x80: {  	_ =	shalt  }
0x81: {  	_ =	shalt  }
0x82: {  	_ =	shalt  }
0x83: {  	_ =	shalt  }
0x84: {  	_ =	shalt  }
0x85: {  	_ =	shalt  }
0x86: {  	_ =	shalt  }
0x87: {  	_ =	shalt  }
.Lfunc_end0:
.L_simem_size_0:
called_computation.1_lowered:
.L_overlay_start_0:
0x88: {  	s2 =	sld [smem:$0x3FD9]  }
0x89: {  	s3 =	sld [smem:$0x3FFE];
	_ =	sdelay $0x1  }
0x8a: {  	s1 =	srdreg.scid  }
0x8b: {  	s0 =	sand.u32 $0x1, s1  }
0x8c: {  	s16 =	sshll.u32 s0, $0xA;
	s2 =	sadd.s32 s3, s2  }
0x8d: {  	s2 =	sadd.s32 s2, s16  }
0x8e: {  	[smem:$0x3FC4] =	sst s2  }
0x8f: {  	_ = 	snop  }
0x90: {  	(tm) =	ssettm $0x1  }
0x91: {  	s17 =	sld [smem:$0x3FFB];
	_ =	sdelay $0x3  }
0x92: {  	_ =	strace s17  }
0x93: {  	s2 =	sld [smem:$0x3FFC];
	_ =	sdelay $0x3  }
0x94: {  	_ =	strace s2  }
0x95: {  	s2 =	sld [smem:$0x3FFD];
	_ =	sdelay $0x3  }
0x96: {  	_ =	strace s2  }
0x97: {  	_ =	strace $0x8FFFFFFF  }
0x98: {  	s18 =	sld [smem:$0x3FDB];
	_ =	sdelay $0x1  }
0x99: {  	s19 =	simm.s32 $_scs_section_size  }
0x9a: {  	s4 =	simm.s32 $_size__tile_overlayer_lowered;
	s5 =	simm.s32 $_tile_overlayer_lowered  }
0x9b: {  	s22 =	simm.s32 $0x1BFF;
	s21 =	sshll.u32 s5, $0x1;
	s2 =	sadd.s32 s19, s18  }
0x9c: {  	s6 =	simm.s32 $0x0;
	s20 =	sshll.u32 s4, $0x1;
	s4 =	sadd.s32 s21, s2  }
0x9d: {  	[timem:s6], [sflag:s22] =	dma.local [hbm:s4], s20  }
0x9e: {  	_ =	swait.ge [sflag:s22], s20  }
0x9f: {  	s3 =	ssub.s32 $0x0, s20;
	[sflag:s22] =	ssyncset.done $0x0  }
0xa0: {  	[sflag:s22] =	ssyncadd.s32 s3;
	_ =	sdelay $0x1  }
0xa1: {  	s23 =	simm.s32 $0x1B8B  }
0xa2: {  	_ =	swait.ge [sflag:s23], $0x1  }
0xa3: {  	[sflag:s23] =	ssyncset.done $0x0  }
0xa4: {  	s25 =	simm.s32 $0x1B8E;
	s24 =	sld [smem:$0x3FFE];
	[sflag:s23] =	ssyncadd.s32 $0xFFFFFFFF  }
0xa5: {  	s26 =	simm.s32 $execute0_lowered;
	[smem:$0x3FD2] =	sst s25  }
0xa6: {  	s4 =	sshll.u32 s26, $0x1;
	_ =	strace $0x80000049;
	[dreg:$0x1] =	wrdreg $0xFFFFFFFF  }
0xa7: {  	s28 =	simm.s32 $_size_execute0_lowered;
	s2 =	sadd.s32 s2, s4;
	[dreg:$0x0] =	wrdreg $0x0  }
0xa8: {  	s4 =	sshll.u32 s28, $0x1;
	[dreg:$0x2] =	wrdreg s2  }
0xa9: {  	[dreg:$0x3] =	wrdreg s4  }
0xaa: {  	[dreg:$0x4] =	wrdreg $0xC0  }
0xab: {  	_ =	task [dreg:s6], $0x5FFFF  }
0xac: {  	[dreg:$0x1] =	wrdreg $0xFFFFFFFF  }
0xad: {  	[dreg:$0x0] =	wrdreg $0x60  }
0xae: {  	[dreg:$0x2] =	wrdreg s24  }
0xaf: {  	[dreg:$0x3] =	wrdreg $0x19E200  }
0xb0: {  	[dreg:$0x4] =	wrdreg $0x1B2200  }
0xb1: {  	[dreg:$0x5] =	wrdreg $0x9  }
0xb2: {  	_ =	task.clear_ibuf [dreg:s6], $0x6FFFF;
	_ =	strace $0x90000049  }
0xb3: {  	s29 =	simm.s32 $0x9;
	_ =	strace $0x8000004B  }
0xb4: {  	_ =	swait.ge [sflag:s29], $0x1  }
0xb5: {  	[sflag:s29] =	ssyncadd.s32 $0xFFFFFFFF  }
0xb6: {  	_ =	strace $0x9000004B  }
0xb7: {  	_ =	sfence  }
0xb8: {  	s30 =	sld [smem:$0x0];
	_ =	sdelay $0x2  }
0xb9: {  	s31 =	sshll.u32 s1, $0xD;
	s1 =	sshrl.u32 s1, $0x2  }
0xba: {  	s3 =	sand.u32 $0x4000, s31;
	s1 =	sadd.s32 s1, s30  }
0xbb: {  	s0 =	sor.u32 s3, s0;
	s1 =	sshll.u32 s1, $0x11  }
0xbc: {  	s0 =	sor.u32 s1, s0  }
0xbd: {  	s0 =	sadd.s32 $0x8F2B, s0  }
0xbe: {  	[sflag:s0] =	ssyncadd.remote.s32 $0x1  }
0xbf: {  	_ =	sfence.sel $0xFFFF  }
0xc0: {  	[dreg:$0x0] =	wrdreg $0xFFFFFFFF;
	(pc) =	sbr.abs _section_cstart, $3  }
0xc1: {  	[dreg:$0x1] =	wrdreg $0xFFFFFFFF  }
0xc2: {  	_ =	task.clear_ibuf [dreg:s6], $0x2FFFF;
	_ =	strace $0x9FFFFFFF  }
0xc3: {  	(tm) =	ssettm $0x7FFFFFFF  }
tec
execute0_lowered:
.L_overlay_start_1:
0x0: {  	(tag) =	ssettag $0x1  }
0x1: {  	s5 =	rddreg [dreg:$0x0]  }
0x2: {  	s1 =	srdreg.scid;
	s2 =	rddreg [dreg:$0x1]  }
0x3: {  	s0 =	stileid.u32;
	s3 =	rddreg [dreg:$0x2]  }
0x4: {  	s4 =	simm.s32 $0x0;
	s13 =	simm.s32 $0x2710;
	s17 =	simm.s32 $0x80  }
0x5: {  	s18 =	simm.s32 $0x10;
	s19 =	simm.s32 $0x2700;
	s20 =	simm.s32 $0x18620  }
0x6: {  	s21 =	simm.s32 $0x1;
	s22 =	simm.s32 $0x4E10;
	s23 =	simm.s32 $0x18A20  }
0x7: {  	s24 =	simm.s32 $0x0;
	s6 =	sand.u32 $0x1, s1;
	s31 =	sshll.u32 s0, $0x1  }
0x8: {  	s9 =	smul.u32 $0x1400, s0;
	[smem:$0x7FF] =	sst s4;
	s14 =	sshll.u32 s0, $0x6  }
0x9: {  	s1 =	sor.u32 s6, s31;
	s8 =	smul.u32 $0x14000, s6;
	s6 =	ssub.s32 $0x2, s6  }
0xa: {  	s14 =	sor.u32 $0x1C02, s14;
	s7 =	smul.u32 $0x2710, s1;
	s1 =	rddreg [dreg:$0x3]  }
0xb: {  	_ =	strace $0x8000004A;
	s10 =	sshrl.u32 s9, $0x3;
	s11 =	sshrl.u32 s6, $0x1  }
0xc: {  	s16 =	sadd.s32 s9, s3;
	s8 =	sadd.s32 s9, s8;
	s10 =	sadd.s32 s10, s5  }
0xd: {  	s11 =	ssub.s32 s6, s11;
	s16 =	sshrl.u32 s16, $0x3;
	s7 =	sshrl.u32 s7, $0x3  }
0xe: {  	s8 =	sshrl.u32 s8, $0x3;
	s11 =	smax.u32 s11, $0x1;
	s7 =	sadd.s32 s7, s5  }
0xf: {  	s12 =	sadd.s32 s8, s5;
	s8 =	sadd.s32 $0x1CE00, s10;
	s5 =	sadd.s32 $0x1C00, s7  }
0x10: {  	s6 =	sadd.s32 $0xB840, s7;
	s7 =	sadd.s32 s9, s2;
	s9 =	sadd.s32 $0x1A600, s10  }
0x11: {  	s10 =	sadd.s32 $0x1F600, s12;
	s12 =	simm.s32 $0x2;
	s15 =	sshrl.u32 s7, $0x3  }
.LBB2_1:
0x12: {  	[tilespmem:s4], [sflag:$0x2] =	stream.linear.gather [hbm4b:s5+s4], $0x2710, $0x38;
	[tilespmem:$0x1C620] =	vst v63  }
0x13: {  	_ =	swait.ge [sflag:s12], $0x2710  }
0x14: {  	[sflag:s12] =	ssyncset.done $0x0  }
0x15: {  	[sflag:s12] =	ssyncadd.s32 $0xFFFFD8F0  }
0x16: {  	[tilespmem:s13], [sflag:$0x2] =	stream.linear.gather [hbm4b:s6+s4], $0x2710, $0x38;
	[tilespmem:$0x1C620] =	vst v63  }
0x17: {  	_ =	swait.ge [sflag:s12], $0x2710  }
0x18: {  	[sflag:s12] =	ssyncset.done $0x0  }
0x19: {  	[sflag:s12] =	ssyncadd.s32 $0xFFFFD8F0  }
0x1a: {  	[spmem:s15], [sflag:s14] =	dma.local [hbm:s8], $0x280  }
0x1b: {  	_ =	swait.ge [sflag:s12], $0x280  }
0x1c: {  	[sflag:s12] =	ssyncset.done $0x0  }
0x1d: {  	[sflag:s12] =	ssyncadd.s32 $0xFFFFFD80  }
0x1e: {  	[spmem:s16], [sflag:s14] =	dma.local [hbm:s9], $0x280  }
0x1f: {  	_ =	swait.ge [sflag:s12], $0x280  }
0x20: {  	[sflag:s12] =	ssyncset.done $0x0  }
0x21: {  	s25 =	simm.s32 $0x4E20;
	s26 =	simm.s32 $0x200;
	[sflag:s12] =	ssyncadd.s32 $0xFFFFFD80  }
0x22: {  	s29 =	simm.s32 $0x0;
	s28 =	simm.s32 $0x5220;
	[bflag:$0x0] =	sbarrier.arrive $0xFFFF  }
.LBB2_2:
0x23: {  	[tilespmem:s25], [sflag:$0x1] =	stream.indirect.gather [spmem:s3], $0x8, s29, s17, $0xb8;
	[tilespmem:$0x1C620] =	vst v63  }
0x24: {  	s29 =	smov.u32 s26;
	s25 =	smov.u32 s28;
	p0 =	sne.s32 s26, $0x9A00  }
.Ltmp0:
0x25: {  	s26 =	sadd.s32 $0x200, s26;
	(pc) =	sbr.rel @p0 .LBB2_2-.Ltmp0, $2  }
0x26: {  	_ =	sdelay $0x2  }
0x27: {  	s28 =	sadd.s32 $0x400, s28;
	s29 =	sshra.s32 s29, $0x2  }
0x28: {  	[tilespmem:s25], [sflag:$0x1] =	stream.indirect.gather [spmem:s3], $0x8, s29, s17, $0xb8;
	[tilespmem:$0x1C620] =	vst v63  }
0x29: {  	_ = 	snop  }
0x2a: {  	[tilespmem:s20], [sflag:$0x1] =	stream.indirect.gather [spmem:s3], $0x8, s19, s18, $0xb8;
	[tilespmem:$0x1C620] =	vst v63  }
0x2b: {  	_ =	swait.ge [sflag:s21], $0x400  }
0x2c: {  	s25 =	simm.s32 $0x4D;
	[sflag:s21] =	ssyncset.done $0x0  }
.LBB2_4:
0x2d: {  	p0 =	sne.s32 s25, $0x1;
	s25 =	sadd.s32 $0xFFFFFFFF, s25;
	[sflag:s21] =	ssyncadd.s32 $0xFFFFFC00  }
.Ltmp1:
0x2e: {  	(pc) =	sbr.rel @p0 .LBB2_4-.Ltmp1, $3  }
0x2f: {  	_ =	sdelay $0x1  }
0x30: {  	_ =	swait.ge [sflag:s21], $0x400  }
0x31: {  	[sflag:s21] =	ssyncset.done $0x0  }
0x32: {  	[sflag:s21] =	ssyncadd.s32 $0xFFFFFC00  }
0x33: {  	_ =	swait.ge [sflag:s21], $0x80  }
0x34: {  	[sflag:s21] =	ssyncset.done $0x0  }
0x35: {  	s25 =	simm.s32 $0x4E20;
	s26 =	simm.s32 $0x2710;
	[sflag:s21] =	ssyncadd.s32 $0xFFFFFF80  }
0x36: {  	[spmem:s2] =	stream.indirect.scatter.add.f32 [tilespmem:s25], [sflag:$0x1], $0x8, s26, s17, $0xb8;
	[tilespmem:$0x1C620] =	vst v63  }
0x37: {  	s26 =	simm.s32 $0x200  }
.LBB2_6:
0x38: {  	p0 =	sne.s32 s26, $0x9A00  }
.Ltmp2:
0x39: {  	_ = 	snop;
	(pc) =	sbr.rel @p0 .LBB2_6-.Ltmp2, $4  }
0x3a: {  	_ = 	snop  }
0x3b: {  	s28 =	sshra.s32 s26, $0x2;
	s26 =	sadd.s32 $0x200, s26  }
0x3c: {  	s25 =	sadd.s32 $0x400, s25;
	s28 =	sadd.s32 $0x2710, s28  }
0x3d: {  	[spmem:s2] =	stream.indirect.scatter.add.f32 [tilespmem:s25], [sflag:$0x1], $0x8, s28, s17, $0xb8;
	[tilespmem:$0x1C620] =	vst v63  }
0x3e: {  	[spmem:s2] =	stream.indirect.scatter.add.f32 [tilespmem:s20], [sflag:$0x1], $0x8, s22, s18, $0xb8;
	[tilespmem:$0x1C620] =	vst v63  }
0x3f: {  	_ =	swait.ge [sflag:s21], $0x400  }
0x40: {  	s25 =	simm.s32 $0x4D;
	[sflag:s21] =	ssyncset.done $0x0  }
.LBB2_8:
0x41: {  	p0 =	sne.s32 s25, $0x1;
	s25 =	sadd.s32 $0xFFFFFFFF, s25;
	[sflag:s21] =	ssyncadd.s32 $0xFFFFFC00  }
.Ltmp3:
0x42: {  	(pc) =	sbr.rel @p0 .LBB2_8-.Ltmp3, $3  }
0x43: {  	_ =	sdelay $0x1  }
0x44: {  	_ =	swait.ge [sflag:s21], $0x400  }
0x45: {  	[sflag:s21] =	ssyncset.done $0x0  }
0x46: {  	[sflag:s21] =	ssyncadd.s32 $0xFFFFFC00  }
0x47: {  	_ =	swait.ge [sflag:s21], $0x80  }
0x48: {  	[sflag:s21] =	ssyncset.done $0x0  }
0x49: {  	[sflag:s21] =	ssyncadd.s32 $0xFFFFFF80  }
0x4a: {  	[bflag:$0x0] =	sbarrier.arrive $0xFFFF  }
0x4b: {  	[tilespmem:s23], [sflag:$0x2] =	stream.linear.gather [spmem:s7], $0x1400, $0x38;
	[tilespmem:$0x1C620] =	vst v63  }
0x4c: {  	s24 =	sadd.s32 $0x1, s24;
	_ =	swait.ge [sflag:s12], $0x1400  }
0x4d: {  	p0 =	sne.s32 s24, s11;
	[sflag:s12] =	ssyncset.done $0x0  }
.Ltmp4:
0x4e: {  	[sflag:s12] =	ssyncadd.s32 $0xFFFFEC00;
	(pc) =	sbr.rel @p0 .LBB2_1-.Ltmp4, $4  }
0x4f: {  	[hbm4b:s10+s4] =	stream.linear.scatter [tilespmem:s23], [sflag:$0x2], $0x1400, $0x38;
	[tilespmem:$0x1C620] =	vst v63  }
0x50: {  	_ =	swait.ge [sflag:s12], $0x1400  }
0x51: {  	[sflag:s12] =	ssyncset.done $0x0  }
0x52: {  	[sflag:s12] =	ssyncadd.s32 $0xFFFFEC00  }
0x53: {  	_ =	sfence.sel $0x180000  }
0x54: {  	[bflag:$0x0] =	sbarrier.arrive $0xFFFF  }
0x55: {  	p0 =	sne.s32 s0, $0x0;
	_ =	strace $0x9000004A  }
0x56: {  	s0 =	sadd.s32 @!p0 $0x100000, s1;
	[bflag:$0x2] =	sbarrier.arrive $0xFFFF  }
0x57: {  	[sflag:s0] =	ssyncadd.tile.s32 @!p0 $0x1;
	_ =	shalt  }
.Lfunc_end2:
_tile_overlayer_lowered:
.L_overlay_start_2:
0x58: {  	(tag) =	ssettag $0x2  }
0x59: {  	s0 =	rddreg [dreg:$0x0];
	s2 =	stileid.u32  }
0x5a: {  	s1 =	rddreg [dreg:$0x1];
	p0 =	sne.s32 s2, $0x0  }
0x5b: {  	s3 =	rddreg [dreg:$0x2];
	[bflag:$0x3] =	sbarrier.arrive $0xFFFF;
	s2 =	simm.s32 @!p0 $0x1C02  }
0x5c: {  	[timem:s3], [sflag:s2] =	dma.local @!p0 [hbm:s0], s1  }
0x5d: {  	s0 =	simm.s32 @!p0 $0x2  }
0x5e: {  	_ =	swait.ge @!p0 [sflag:s0], s1  }
0x5f: {  	s1 =	ssub.s32 @!p0 $0x0, s1;
	[sflag:s0] =	ssyncset.done @!p0 $0x0  }
0x60: {  	[sflag:s0] =	ssyncadd.s32 @!p0 s1  }
0x61: {  	[bflag:$0x3] =	sbarrier.arrive $0xFFFF  }
0x62: {  	_ =	shalt  }

// kernel: kernel.7.cloned.1.call-start
scs
__scs_entry_jumppad:
0x0: {  	(pc) =	sbr.rel $0x88, $3  }
0x1: {  	(tag) =	ssettag $0x0;
	lr =	simm.s32 $0x1  }
0x2: {  	[smem:$0x3F9D] =	sst lr;
	_ =	strace $0xD0000000  }
0x3: {  	_ = 	snop  }
0x4: {  	_ = 	snop  }
0x5: {  	_ = 	snop  }
0x6: {  	_ = 	snop  }
0x7: {  	_ = 	snop  }
__scs_overlays_trampoline_lowered:
0x8: {  	[smem:$0x3FAC] =	sst s0  }
0x9: {  	[smem:$0x3FAD] =	sst s1  }
0xa: {  	[smem:$0x3FAE] =	sst s2  }
0xb: {  	[smem:$0x3FAF] =	sst s3  }
0xc: {  	[smem:$0x3FB0] =	sst s4  }
0xd: {  	[smem:$0x3FB1] =	sst s5  }
0xe: {  	[smem:$0x3FB2] =	sst s6  }
0xf: {  	[smem:$0x3FB3] =	sst s7  }
0x10: {  	[smem:$0x3FB4] =	sst s8  }
0x11: {  	[smem:$0x3FB5] =	sst s9;
	s0 =	simm.s32 @!p0 $0x0  }
0x12: {  	s1 =	sld [smem:$0x3F9B];
	s0 =	simm.s32 @p0 $0x1  }
0x13: {  	[smem:$0x3FB6] =	sst s0;
	s0 =	simm.s32 @!p1 $0x0  }
0x14: {  	s2 =	sld [smem:$0x3F9A];
	s0 =	simm.s32 @p1 $0x1  }
0x15: {  	[smem:$0x3FB7] =	sst s0;
	s0 =	simm.s32 @!p2 $0x0  }
0x16: {  	s3 =	sld [smem:$0x3FDB];
	s0 =	simm.s32 @p2 $0x1  }
0x17: {  	s4 =	simm.s32 $0x1BF5;
	[smem:$0x3FB9] =	sst s0  }
0x18: {  	s0 =	sld [smem:$0x3F9C];
	_ =	swait.ge [sflag:s4], $0x0  }
0x19: {  	s7 =	sld [smem:$0x3F9D]  }
0x1a: {  	s8 =	sadd.s32 $0xFFFFE003, lr  }
0x1b: {  	s9 =	sadd.s32 $0xFFFFFEF7, lr;
	s5 =	simm.s32 $0xFFFFFFFF;
	p2 =	slt.u32 s8, $0xFFFFF086  }
0x1c: {  	p1 =	slt.u32 s9, $0xF7A;
	s5 =	simm.s32 @!p2 $0x0  }
0x1d: {  	s5 =	simm.s32 @p1 $0x1;
	p0 =	seq.s32 s7, s2  }
0x1e: {  	s7 =	smul.u32 @!p0 $0xF7A, s2;
	p2 =	seq.s32 @!p0 s5, $0x0  }
0x1f: {  	s9 =	smul.u32 $0xF7A, s1;
	s8 =	simm.s32 @!p0 $0x1BF5;
	p2 =	por !p2, p0  }
0x20: {  	[sflag:s8] =	ssyncset.s32 @!p0 $0xFFFFF086;
	s6 =	sadd.s32 @!p0 s3, s7;
	s7 =	simm.s32 @!p0 $0x108  }
0x21: {  	s3 =	sadd.s32 s3, s9;
	s6 =	sadd.s32 @!p0 $0x88, s6;
	s7 =	simm.s32 @p2 $0x1082  }
0x22: {  	[simem:s7], [sflag:s8] =	dma.local @!p0 [hbm:s6], $0xF7A  }
0x23: {  	s9 =	sor.u32 $0xD0000000, s2;
	s6 =	simm.s32 $0x108;
	_ =	swait.ge @!p0 [sflag:s8], $0x0  }
0x24: {  	s3 =	sadd.s32 $0x88, s3;
	s6 =	simm.s32 @!p1 $0x1082;
	[sflag:s4] =	ssyncset.s32 $0xFFFFF086  }
0x25: {  	[simem:s6], [sflag:s4] =	dma.local [hbm:s3], $0xF7A  }
0x26: {  	[smem:$0x3F9D] =	sst s1;
	(tag) =	ssettag s2;
	_ =	strace s9  }
0x27: {  	s1 =	sld [smem:$0x3FAD]  }
0x28: {  	s2 =	sld [smem:$0x3FAE]  }
0x29: {  	s4 =	sld [smem:$0x3FB0]  }
0x2a: {  	p0 =	seq.s32 s5, $0x0;
	s5 =	sld [smem:$0x3FB1]  }
0x2b: {  	s6 =	sld [smem:$0x3FB2]  }
0x2c: {  	s7 =	sld [smem:$0x3FB3]  }
0x2d: {  	s3 =	simm.s32 $0x108;
	s8 =	sld [smem:$0x3FB4]  }
0x2e: {  	s3 =	simm.s32 @!p0 $0x1082;
	s9 =	sld [smem:$0x3FB5]  }
0x2f: {  	lr =	sadd.s32 s0, s3;
	s0 =	sld [smem:$0x3FAC]  }
0x30: {  	s3 =	sld [smem:$0x3FAF]  }
0x31: {  	[smem:$0x3FB8] =	sst s10  }
0x32: {  	s10 =	sld [smem:$0x3FB6];
	_ =	sdelay $0x3  }
0x33: {  	p0 =	seq.s32 s10, $0x1;
	s10 =	sld [smem:$0x3FB8];
	_ =	sdelay $0x3  }
0x34: {  	[smem:$0x3FB8] =	sst s10  }
0x35: {  	s10 =	sld [smem:$0x3FB7];
	_ =	sdelay $0x3  }
0x36: {  	p1 =	seq.s32 s10, $0x1;
	s10 =	sld [smem:$0x3FB8];
	_ =	sdelay $0x3  }
0x37: {  	[smem:$0x3FB8] =	sst s10  }
0x38: {  	s10 =	sld [smem:$0x3FB9]  }
0x39: {  	_ = 	snop;
	(pc) =	sbr.ind lr, $3  }
0x3a: {  	_ = 	snop  }
0x3b: {  	_ = 	snop  }
0x3c: {  	p2 =	seq.s32 s10, $0x1;
	s10 =	sld [smem:$0x3FB8]  }
0x3d: {  	_ =	shalt  }
0x3e: {  	_ =	shalt  }
0x3f: {  	_ =	shalt  }
0x40: {  	_ =	shalt  }
0x41: {  	_ =	shalt  }
0x42: {  	_ =	shalt  }
0x43: {  	_ =	shalt  }
0x44: {  	_ =	shalt  }
0x45: {  	_ =	shalt  }
0x46: {  	_ =	shalt  }
0x47: {  	_ =	shalt  }
0x48: {  	_ =	shalt  }
0x49: {  	_ =	shalt  }
0x4a: {  	_ =	shalt  }
0x4b: {  	_ =	shalt  }
0x4c: {  	_ =	shalt  }
0x4d: {  	_ =	shalt  }
0x4e: {  	_ =	shalt  }
0x4f: {  	_ =	shalt  }
0x50: {  	_ =	shalt  }
0x51: {  	_ =	shalt  }
0x52: {  	_ =	shalt  }
0x53: {  	_ =	shalt  }
0x54: {  	_ =	shalt  }
0x55: {  	_ =	shalt  }
0x56: {  	_ =	shalt  }
0x57: {  	_ =	shalt  }
0x58: {  	_ =	shalt  }
0x59: {  	_ =	shalt  }
0x5a: {  	_ =	shalt  }
0x5b: {  	_ =	shalt  }
0x5c: {  	_ =	shalt  }
0x5d: {  	_ =	shalt  }
0x5e: {  	_ =	shalt  }
0x5f: {  	_ =	shalt  }
0x60: {  	_ =	shalt  }
0x61: {  	_ =	shalt  }
0x62: {  	_ =	shalt  }
0x63: {  	_ =	shalt  }
0x64: {  	_ =	shalt  }
0x65: {  	_ =	shalt  }
0x66: {  	_ =	shalt  }
0x67: {  	_ =	shalt  }
0x68: {  	_ =	shalt  }
0x69: {  	_ =	shalt  }
0x6a: {  	_ =	shalt  }
0x6b: {  	_ =	shalt  }
0x6c: {  	_ =	shalt  }
0x6d: {  	_ =	shalt  }
0x6e: {  	_ =	shalt  }
0x6f: {  	_ =	shalt  }
0x70: {  	_ =	shalt  }
0x71: {  	_ =	shalt  }
0x72: {  	_ =	shalt  }
0x73: {  	_ =	shalt  }
0x74: {  	_ =	shalt  }
0x75: {  	_ =	shalt  }
0x76: {  	_ =	shalt  }
0x77: {  	_ =	shalt  }
0x78: {  	_ =	shalt  }
0x79: {  	_ =	shalt  }
0x7a: {  	_ =	shalt  }
0x7b: {  	_ =	shalt  }
0x7c: {  	_ =	shalt  }
0x7d: {  	_ =	shalt  }
0x7e: {  	_ =	shalt  }
0x7f: {  	_ =	shalt  }
0x80: {  	_ =	shalt  }
0x81: {  	_ =	shalt  }
0x82: {  	_ =	shalt  }
0x83: {  	_ =	shalt  }
0x84: {  	_ =	shalt  }
0x85: {  	_ =	shalt  }
0x86: {  	_ =	shalt  }
0x87: {  	_ =	shalt  }
.Lfunc_end0:
.L_simem_size_0:
called_computation_lowered:
.L_overlay_start_0:
0x88: {  	s2 =	sld [smem:$0x3FD9]  }
0x89: {  	s3 =	sld [smem:$0x3FFE];
	_ =	sdelay $0x1  }
0x8a: {  	s1 =	srdreg.scid  }
0x8b: {  	s0 =	sand.u32 $0x1, s1  }
0x8c: {  	s17 =	sshll.u32 s0, $0xA;
	s2 =	sadd.s32 s3, s2  }
0x8d: {  	s2 =	sadd.s32 s2, s17  }
0x8e: {  	[smem:$0x3FC4] =	sst s2  }
0x8f: {  	_ = 	snop  }
0x90: {  	s2 =	sld [smem:$0x3FD0];
	(tm) =	ssettm $0x1  }
0x91: {  	s18 =	sld [smem:$0x3FFB];
	_ =	sdelay $0x3  }
0x92: {  	_ =	strace s18  }
0x93: {  	s3 =	sld [smem:$0x3FFC];
	_ =	sdelay $0x3  }
0x94: {  	_ =	strace s3  }
0x95: {  	s3 =	sld [smem:$0x3FFD];
	_ =	sdelay $0x3  }
0x96: {  	_ =	strace s3  }
0x97: {  	_ =	strace $0x8FFFFFFF  }
0x98: {  	s19 =	sld [smem:$0x3FDB];
	_ =	sdelay $0x1  }
0x99: {  	s4 =	simm.s32 $_scs_section_size  }
0x9a: {  	s5 =	simm.s32 $_size__tile_overlayer_lowered;
	s6 =	simm.s32 $_tile_overlayer_lowered  }
0x9b: {  	s22 =	simm.s32 $0x1BFF;
	s21 =	sshll.u32 s6, $0x1;
	s3 =	sadd.s32 s4, s19  }
0x9c: {  	s7 =	simm.s32 $0x0;
	s20 =	sshll.u32 s5, $0x1;
	s5 =	sadd.s32 s21, s3  }
0x9d: {  	[timem:s7], [sflag:s22] =	dma.local [hbm:s5], s20  }
0x9e: {  	_ =	swait.ge [sflag:s22], s20  }
0x9f: {  	s4 =	ssub.s32 $0x0, s20;
	[sflag:s22] =	ssyncset.done $0x0  }
0xa0: {  	[sflag:s22] =	ssyncadd.s32 s4;
	_ =	sdelay $0x1  }
0xa1: {  	s23 =	simm.s32 $0x1B8B  }
0xa2: {  	_ =	swait.ge [sflag:s23], $0x1  }
0xa3: {  	[sflag:s23] =	ssyncset.done $0x0  }
0xa4: {  	s25 =	simm.s32 $0x1B8E;
	s24 =	sld [smem:$0x3FFE];
	[sflag:s23] =	ssyncadd.s32 $0xFFFFFFFF  }
0xa5: {  	s26 =	simm.s32 $execute0_lowered;
	[smem:$0x3FD2] =	sst s25  }
0xa6: {  	s5 =	sshll.u32 s26, $0x1;
	_ =	strace $0x80000046;
	[dreg:$0x1] =	wrdreg $0xFFFFFFFF  }
0xa7: {  	s28 =	simm.s32 $_size_execute0_lowered;
	s3 =	sadd.s32 s3, s5;
	[dreg:$0x0] =	wrdreg $0x0  }
0xa8: {  	s5 =	sshll.u32 s28, $0x1;
	[dreg:$0x2] =	wrdreg s3  }
0xa9: {  	[dreg:$0x3] =	wrdreg s5  }
0xaa: {  	[dreg:$0x4] =	wrdreg $0xC0  }
0xab: {  	_ =	task [dreg:s7], $0x5FFFF  }
0xac: {  	[dreg:$0x1] =	wrdreg $0xFFFFFFFF  }
0xad: {  	[dreg:$0x0] =	wrdreg $0x60  }
0xae: {  	[dreg:$0x2] =	wrdreg s24  }
0xaf: {  	[dreg:$0x3] =	wrdreg s2  }
0xb0: {  	[dreg:$0x4] =	wrdreg $0x65B00  }
0xb1: {  	[dreg:$0x5] =	wrdreg $0x9  }
0xb2: {  	_ =	task.clear_ibuf [dreg:s7], $0x6FFFF;
	_ =	strace $0x90000046  }
0xb3: {  	s29 =	simm.s32 $0x9;
	_ =	strace $0x80000048  }
0xb4: {  	_ =	swait.ge [sflag:s29], $0x1  }
0xb5: {  	[sflag:s29] =	ssyncadd.s32 $0xFFFFFFFF  }
0xb6: {  	_ =	strace $0x90000048  }
0xb7: {  	_ =	sfence  }
0xb8: {  	s30 =	sld [smem:$0x0];
	_ =	sdelay $0x2  }
0xb9: {  	s31 =	sshll.u32 s1, $0xD;
	s1 =	sshrl.u32 s1, $0x2  }
0xba: {  	s3 =	sand.u32 $0x4000, s31;
	s1 =	sadd.s32 s1, s30  }
0xbb: {  	s0 =	sor.u32 s3, s0;
	s1 =	sshll.u32 s1, $0x11  }
0xbc: {  	s0 =	sor.u32 s1, s0  }
0xbd: {  	s0 =	sadd.s32 $0x8F2B, s0  }
0xbe: {  	[sflag:s0] =	ssyncadd.remote.s32 $0x1  }
0xbf: {  	_ =	sfence.sel $0xFFFF  }
0xc0: {  	[dreg:$0x0] =	wrdreg $0xFFFFFFFF;
	(pc) =	sbr.abs _section_cstart, $3  }
0xc1: {  	[dreg:$0x1] =	wrdreg $0xFFFFFFFF  }
0xc2: {  	_ =	task.clear_ibuf [dreg:s7], $0x2FFFF;
	_ =	strace $0x9FFFFFFF  }
0xc3: {  	(tm) =	ssettm $0x7FFFFFFF  }
tec
execute0_lowered:
.L_overlay_start_1:
0x0: {  	(tag) =	ssettag $0x1  }
0x1: {  	s5 =	rddreg [dreg:$0x0]  }
0x2: {  	s6 =	rddreg [dreg:$0x1]  }
0x3: {  	s2 =	rddreg [dreg:$0x2]  }
0x4: {  	s0 =	srdreg.scid;
	s1 =	rddreg [dreg:$0x3]  }
0x5: {  	s3 =	simm.s32 $0x0;
	s13 =	simm.s32 $0x6520;
	s14 =	simm.s32 $0x80  }
0x6: {  	s15 =	simm.s32 $0x4E20;
	s16 =	simm.s32 $0x20;
	s17 =	simm.s32 $0x4E00  }
0x7: {  	s18 =	simm.s32 $0x1;
	s19 =	simm.s32 $0x4EA0;
	s20 =	simm.s32 $0x65A0  }
0x8: {  	s21 =	simm.s32 $0x5120;
	s4 =	sand.u32 $0x1, s0;
	s0 =	stileid.u32  }
0x9: {  	s22 =	simm.s32 $0x0;
	[smem:$0x7FF] =	sst s3;
	s7 =	smul.u32 $0x4E200, s4  }
0xa: {  	s8 =	smul.u32 $0x4E20, s0;
	s9 =	sshll.u32 s4, $0x4;
	_ =	strace $0x80000047  }
0xb: {  	s28 =	ssub.s32 $0x2, s4;
	s10 =	smul.u32 $0x280, s0;
	s4 =	sadd.s32 $0x1A00, s5  }
0xc: {  	s31 =	sshll.u32 s0, $0x6;
	s25 =	sor.u32 s0, s9;
	s29 =	sshrl.u32 s28, $0x1  }
0xd: {  	s7 =	sadd.s32 s8, s7;
	s8 =	smul.u32 $0x280, s25;
	s30 =	sshrl.u32 s10, $0x3  }
0xe: {  	s12 =	ssub.s32 s28, s29;
	s7 =	sshrl.u32 s7, $0x3;
	s6 =	sadd.s32 s6, s30  }
0xf: {  	s26 =	sadd.s32 s7, s5;
	s11 =	sadd.s32 s8, s5;
	s5 =	sadd.s32 s10, s2  }
0x10: {  	s7 =	sor.u32 $0x1C02, s31;
	s10 =	smax.u32 s12, $0x1;
	s12 =	simm.s32 $0x2  }
0x11: {  	v0 =	vimm.f32 $1.000000000e+00;
	s8 =	sadd.s32 $0x1C00, s26;
	s9 =	sadd.s32 $0x15600, s11;
	s11 =	sshrl.u32 s5, $0x3  }
.LBB2_1:
0x12: {  	[tilespmem:$0x4E20] =	vst v0  }
0x13: {  	[tilespmem:$0x4E30] =	vst v0  }
0x14: {  	[tilespmem:$0x4E40] =	vst v0  }
0x15: {  	[tilespmem:$0x4E50] =	vst v0  }
0x16: {  	[tilespmem:$0x4E60] =	vst v0  }
0x17: {  	[tilespmem:$0x4E70] =	vst v0  }
0x18: {  	[tilespmem:$0x4E80] =	vst v0  }
0x19: {  	[tilespmem:$0x4E90] =	vst v0  }
0x1a: {  	[spmem:s11], [sflag:s7] =	dma.local [hbm:s6], $0x50  }
0x1b: {  	_ =	swait.ge [sflag:s12], $0x50  }
0x1c: {  	[sflag:s12] =	ssyncset.done $0x0  }
0x1d: {  	[sflag:s12] =	ssyncadd.s32 $0xFFFFFFB0  }
0x1e: {  	[tilespmem:s13], [sflag:$0x2] =	stream.linear.gather [hbm4b:s4+s3], $0x80, $0x38;
	[tilespmem:$0x6830] =	vst v63  }
0x1f: {  	_ =	swait.ge [sflag:s12], $0x80  }
0x20: {  	[sflag:s12] =	ssyncset.done $0x0  }
0x21: {  	[sflag:s12] =	ssyncadd.s32 $0xFFFFFF80  }
0x22: {  	[tilespmem:s3], [sflag:$0x2] =	stream.linear.gather [hbm4b:s8+s3], $0x4E20, $0x38;
	[tilespmem:$0x6830] =	vst v63  }
0x23: {  	_ =	swait.ge [sflag:s12], $0x4E20  }
0x24: {  	[sflag:s12] =	ssyncset.done $0x0  }
0x25: {  	[sflag:s12] =	ssyncadd.s32 $0xFFFFB1E0  }
0x26: {  	s23 =	simm.s32 $0x200;
	s24 =	simm.s32 $0x0;
	[bflag:$0x0] =	sbarrier.arrive $0xFFFF  }
.LBB2_2:
0x27: {  	[spmem:s2] =	stream.indirect.scatter.add.f32 [tilespmem:s15], [sflag:$0x1], $0x1, s24, s14, $0xb8;
	[tilespmem:$0x6830] =	vst v63  }
0x28: {  	s24 =	smov.u32 s23;
	p0 =	sne.s32 s23, $0x13600  }
.Ltmp0:
0x29: {  	s23 =	sadd.s32 $0x200, s23;
	(pc) =	sbr.rel @p0 .LBB2_2-.Ltmp0, $2  }
0x2a: {  	_ =	sdelay $0x2  }
0x2b: {  	s24 =	sshra.s32 s24, $0x2  }
0x2c: {  	[spmem:s2] =	stream.indirect.scatter.add.f32 [tilespmem:s15], [sflag:$0x1], $0x1, s24, s14, $0xb8;
	[tilespmem:$0x6830] =	vst v63  }
0x2d: {  	_ = 	snop  }
0x2e: {  	[spmem:s2] =	stream.indirect.scatter.add.f32 [tilespmem:s15], [sflag:$0x1], $0x1, s17, s16, $0xb8;
	[tilespmem:$0x6830] =	vst v63  }
0x2f: {  	_ =	swait.ge [sflag:s18], $0x80  }
0x30: {  	s23 =	simm.s32 $0x9B;
	[sflag:s18] =	ssyncset.done $0x0  }
.LBB2_4:
0x31: {  	p0 =	sne.s32 s23, $0x1;
	s23 =	sadd.s32 $0xFFFFFFFF, s23;
	[sflag:s18] =	ssyncadd.s32 $0xFFFFFF80  }
.Ltmp1:
0x32: {  	(pc) =	sbr.rel @p0 .LBB2_4-.Ltmp1, $3  }
0x33: {  	_ =	sdelay $0x1  }
0x34: {  	_ =	swait.ge [sflag:s18], $0x80  }
0x35: {  	[sflag:s18] =	ssyncset.done $0x0  }
0x36: {  	[sflag:s18] =	ssyncadd.s32 $0xFFFFFF80  }
0x37: {  	_ =	swait.ge [sflag:s18], $0x20  }
0x38: {  	[sflag:s18] =	ssyncset.done $0x0  }
0x39: {  	[sflag:s18] =	ssyncadd.s32 $0xFFFFFFE0  }
0x3a: {  	[bflag:$0x0] =	sbarrier.arrive $0xFFFF  }
0x3b: {  	[tilespmem:s19], [sflag:$0x2] =	stream.linear.gather [spmem:s5], $0x280, $0x38;
	[tilespmem:$0x6830] =	vst v63  }
0x3c: {  	_ =	swait.ge [sflag:s12], $0x280  }
0x3d: {  	[sflag:s12] =	ssyncset.done $0x0  }
0x3e: {  	s23 =	simm.s32 $0x0;
	s24 =	simm.s32 $0x5160;
	[sflag:s12] =	ssyncadd.s32 $0xFFFFFD80  }
.LBB2_6:
0x3f: {  	s25 =	sshra.s32 s23, $0x2  }
0x40: {  	v1 =	vld [tilespmem:s25+$0x4EA0];
	_ =	sdelay $0x4  }
0x41: {  	v1 =	vmax.f32 v1, $1.000000000e+00  }
0x42: {  	v2 =	vshrl.u32 v1, $0x1;
	v1 =	vmul.f32 $5.000000000e-01, v1  }
0x43: {  	v2 =	vsub.s32 $0x5F3759DF, v2  }
0x44: {  	v3 =	vmul.f32 v2, v1;
	_ =	sdelay $0x1  }
0x45: {  	v3 =	vmul.f32 v2, v3;
	_ =	sdelay $0x1  }
0x46: {  	v3 =	vsub.f32 $1.500000000e+00, v3;
	_ =	sdelay $0x1  }
0x47: {  	v2 =	vmul.f32 v2, v3;
	_ =	sdelay $0x1  }
0x48: {  	v3 =	vmul.f32 v2, v1;
	_ =	sdelay $0x1  }
0x49: {  	v3 =	vmul.f32 v3, v2;
	_ =	sdelay $0x1  }
0x4a: {  	v3 =	vsub.f32 $1.500000000e+00, v3;
	_ =	sdelay $0x1  }
0x4b: {  	v2 =	vmul.f32 v3, v2;
	_ =	sdelay $0x1  }
0x4c: {  	v1 =	vmul.f32 v2, v1  }
0x4d: {  	v3 =	vld [tilespmem:$0x6520]  }
0x4e: {  	v1 =	vmul.f32 v1, v2;
	_ =	sdelay $0x1  }
0x4f: {  	v1 =	vsub.f32 $1.500000000e+00, v1;
	_ =	sdelay $0x1  }
0x50: {  	v1 =	vmul.f32 v1, v2;
	_ =	sdelay $0x1  }
0x51: {  	[tilespmem:$0x65A0] =	vst v1  }
0x52: {  	v1 =	vld.idx.msk [tilespmem:v3+s20+$0x0], $0xffff;
	_ =	sdelay $0x4  }
0x53: {  	[tilespmem:s24+$0xFFFFFFC0] =	vst v1  }
0x54: {  	v1 =	vld [tilespmem:$0x6530];
	_ =	sdelay $0x7  }
0x55: {  	v1 =	vld.idx.msk [tilespmem:v1+s20+$0x0], $0xffff;
	_ =	sdelay $0x4  }
0x56: {  	[tilespmem:s24+$0xFFFFFFD0] =	vst v1  }
0x57: {  	v1 =	vld [tilespmem:$0x6540];
	_ =	sdelay $0x7  }
0x58: {  	v1 =	vld.idx.msk [tilespmem:v1+s20+$0x0], $0xffff;
	_ =	sdelay $0x4  }
0x59: {  	[tilespmem:s24+$0xFFFFFFE0] =	vst v1  }
0x5a: {  	v1 =	vld [tilespmem:$0x6550];
	_ =	sdelay $0x7  }
0x5b: {  	v1 =	vld.idx.msk [tilespmem:v1+s20+$0x0], $0xffff;
	_ =	sdelay $0x4  }
0x5c: {  	[tilespmem:s24+$0xFFFFFFF0] =	vst v1  }
0x5d: {  	v1 =	vld [tilespmem:$0x6560];
	_ =	sdelay $0x7  }
0x5e: {  	v1 =	vld.idx.msk [tilespmem:v1+s20+$0x0], $0xffff;
	_ =	sdelay $0x4  }
0x5f: {  	[tilespmem:s24+$0x0] =	vst v1  }
0x60: {  	v1 =	vld [tilespmem:$0x6570];
	_ =	sdelay $0x7  }
0x61: {  	v1 =	vld.idx.msk [tilespmem:v1+s20+$0x0], $0xffff;
	_ =	sdelay $0x4  }
0x62: {  	[tilespmem:s24+$0x10] =	vst v1  }
0x63: {  	v1 =	vld [tilespmem:$0x6580];
	_ =	sdelay $0x7  }
0x64: {  	v1 =	vld.idx.msk [tilespmem:v1+s20+$0x0], $0xffff;
	_ =	sdelay $0x4  }
0x65: {  	[tilespmem:s24+$0x20] =	vst v1  }
0x66: {  	v1 =	vld [tilespmem:$0x6590];
	_ =	sdelay $0x7  }
0x67: {  	p0 =	sne.s32 s23, $0x9C0;
	v1 =	vld.idx.msk [tilespmem:v1+s20+$0x0], $0xffff  }
.Ltmp2:
0x68: {  	_ = 	snop;
	(pc) =	sbr.rel @p0 .LBB2_6-.Ltmp2, $2  }
0x69: {  	_ =	sdelay $0x2  }
0x6a: {  	s23 =	sadd.s32 $0x40, s23;
	[tilespmem:s24+$0x30] =	vst v1;
	s24 =	sadd.s32 $0x80, s24  }
0x6b: {  	s22 =	sadd.s32 $0x1, s22  }
0x6c: {  	p0 =	sne.s32 s22, s10  }
.Ltmp3:
0x6d: {  	_ = 	snop;
	(pc) =	sbr.rel @p0 .LBB2_1-.Ltmp3, $4  }
0x6e: {  	[hbm4b:s9+s3] =	stream.linear.scatter [tilespmem:s21], [sflag:$0x2], $0x1400, $0x38;
	[tilespmem:$0x6830] =	vst v63  }
0x6f: {  	_ =	swait.ge [sflag:s12], $0x1400  }
0x70: {  	[sflag:s12] =	ssyncset.done $0x0  }
0x71: {  	[sflag:s12] =	ssyncadd.s32 $0xFFFFEC00  }
0x72: {  	_ =	sfence.sel $0x180000  }
0x73: {  	[bflag:$0x0] =	sbarrier.arrive $0xFFFF  }
0x74: {  	p0 =	sne.s32 s0, $0x0;
	_ =	strace $0x90000047  }
0x75: {  	s0 =	sadd.s32 @!p0 $0x100000, s1;
	[bflag:$0x2] =	sbarrier.arrive $0xFFFF  }
0x76: {  	[sflag:s0] =	ssyncadd.tile.s32 @!p0 $0x1;
	_ =	shalt  }
.Lfunc_end2:
_tile_overlayer_lowered:
.L_overlay_start_2:
0x77: {  	(tag) =	ssettag $0x2  }
0x78: {  	s0 =	rddreg [dreg:$0x0];
	s2 =	stileid.u32  }
0x79: {  	s1 =	rddreg [dreg:$0x1];
	p0 =	sne.s32 s2, $0x0  }
0x7a: {  	s3 =	rddreg [dreg:$0x2];
	[bflag:$0x3] =	sbarrier.arrive $0xFFFF;
	s2 =	simm.s32 @!p0 $0x1C02  }
0x7b: {  	[timem:s3], [sflag:s2] =	dma.local @!p0 [hbm:s0], s1  }
0x7c: {  	s0 =	simm.s32 @!p0 $0x2  }
0x7d: {  	_ =	swait.ge @!p0 [sflag:s0], s1  }
0x7e: {  	s1 =	ssub.s32 @!p0 $0x0, s1;
	[sflag:s0] =	ssyncset.done @!p0 $0x0  }
0x7f: {  	[sflag:s0] =	ssyncadd.s32 @!p0 s1  }
0x80: {  	[bflag:$0x3] =	sbarrier.arrive $0xFFFF  }
0x81: {  	_ =	shalt  }

</sc_bundles>
